<compile_context>
chip_gen: v7x
topology: tpu7x:2x2x1
jax: 0.10.2.dev20260603
libtpu: 0.0.44.dev20260713+nightly
codegen_flags: <defaults>
</compile_context>

<pallas_src>
import functools

import jax
import jax.numpy as jnp
from jax.experimental import pallas as pl
from jax.experimental.pallas import tpu as pltpu

NNODES = 4096
DIM = 32
K = 16
ALPHA = 3.0
BR = 256
GRID = NNODES // BR


def _embed_body(e1_ref, w1_ref, b1_ref, e2_ref, w2_ref, b2_ref, n1_ref, n2_ref):
    dn = (((1,), (1,)), ((), ()))
    n1 = jax.lax.dot_general(e1_ref[...], w1_ref[...], dn,
                             preferred_element_type=jnp.float32)
    n2 = jax.lax.dot_general(e2_ref[...], w2_ref[...], dn,
                             preferred_element_type=jnp.float32)
    n1_ref[...] = jnp.tanh(ALPHA * (n1 + b1_ref[...]))
    n2_ref[...] = jnp.tanh(ALPHA * (n2 + b2_ref[...]))


def _score_body(n1_ref, n2_ref, o_ref, t_ref):
    i = pl.program_id(0)
    n1b = n1_ref[pl.ds(i * BR, BR), :]
    n2b = n2_ref[pl.ds(i * BR, BR), :]
    dn = (((1,), (1,)), ((), ()))
    a = jax.lax.dot_general(n1b, n2_ref[...], dn,
                            preferred_element_type=jnp.float32)
    a -= jax.lax.dot_general(n2b, n1_ref[...], dn,
                             preferred_element_type=jnp.float32)
    A = jnp.maximum(jnp.tanh(ALPHA * a), 0.0)

    def _slow_T():
        B = A
        T = jnp.full((BR, 1), -1.0, jnp.float32)
        cnt = jnp.zeros((BR, 1), jnp.float32)
        for _ in range(K):
            m = jnp.max(B, axis=1, keepdims=True)
            hit = B == m
            c = jnp.sum(hit.astype(jnp.float32), axis=1, keepdims=True)
            active = cnt < K
            T = jnp.where(active, m, T)
            cnt = jnp.where(active, cnt + c, cnt)
            B = jnp.where(hit, -1.0, B)
        return T

    B = A
    m = None
    for it in range(K):
        m = jnp.max(B, axis=1, keepdims=True)
        if it < K - 1:
            B = jnp.where(B >= m, -1.0, B)
    t_ref[...] = jnp.maximum(m, 0.0)

    c_chk = jnp.sum((A > t_ref[...]).astype(jnp.float32), axis=1,
                    keepdims=True)

    @pl.when(jnp.max(c_chk) > K)
    def _():
        t_ref[...] = _slow_T()

    T = t_ref[...]

    gt = A > T
    gtf = gt.astype(jnp.float32)
    c_gt = jnp.sum(gtf, axis=1, keepdims=True)
    eq = A == T
    eqf = eq.astype(jnp.float32)

    nch = NNODES // 128
    lane = jax.lax.broadcasted_iota(jnp.int32, (1, NNODES), 1)
    lane_mod = lane % 128
    eq16 = eq.astype(jnp.int16)
    z1 = jnp.zeros((BR, 1), jnp.int16)
    p16 = jnp.where(lane_mod >= 1,
                   jnp.concatenate([z1, eq16[:, : NNODES - 1]], axis=1), 0)
    s = 1
    while s < 128:
        z16 = jnp.zeros((BR, s), jnp.int16)
        shifted = jnp.concatenate([z16, p16[:, : NNODES - s]], axis=1)
        p16 = p16 + jnp.where(lane_mod >= s, shifted, 0)
        s *= 2
    c_row = jax.lax.broadcasted_iota(jnp.int32, (NNODES, nch), 0)
    c_col = jax.lax.broadcasted_iota(jnp.int32, (NNODES, nch), 1)
    cmat = (c_row // 128 == c_col).astype(jnp.float32)
    csum = jax.lax.dot_general(eqf, cmat, (((1,), (0,)), ((), ())),
                               preferred_element_type=jnp.float32)
    e_row = jax.lax.broadcasted_iota(jnp.int32, (nch, NNODES), 0)
    e_col = jax.lax.broadcasted_iota(jnp.int32, (nch, NNODES), 1)
    strict = (e_row < e_col).astype(jnp.float32)[:, :nch]
    cp = jax.lax.dot_general(csum, strict, (((1,), (0,)), ((), ())),
                             preferred_element_type=jnp.float32)
    take = jnp.clip((K - c_gt) - cp, -1.0, 127.0)
    e2_row = jax.lax.broadcasted_iota(jnp.int32, (nch, NNODES), 0)
    e2_col = jax.lax.broadcasted_iota(jnp.int32, (nch, NNODES), 1)
    ind = (e2_row == e2_col // 128).astype(jnp.float32)
    take_b = jax.lax.dot_general(take, ind, (((1,), (0,)), ((), ())),
                                 preferred_element_type=jnp.float32)
    sel = eq & (p16 < take_b.astype(jnp.int16))
    o_ref[...] = jnp.where(gt | sel, A, 0.0)


@jax.jit
def kernel(idx, E1, E2, W1, b1, W2, b2):
    e1 = jnp.take(E1, idx, axis=0)
    e2 = jnp.take(E2, idx, axis=0)
    n1, n2 = pl.pallas_call(
        _embed_body,
        out_shape=[jax.ShapeDtypeStruct((NNODES, DIM), jnp.float32)] * 2,
    )(e1, W1, b1.reshape(1, DIM), e2, W2, b2.reshape(1, DIM))

    out = pl.pallas_call(
        _score_body,
        grid=(GRID,),
        in_specs=[
            pl.BlockSpec((NNODES, DIM), lambda i: (0, 0)),
            pl.BlockSpec((NNODES, DIM), lambda i: (0, 0)),
        ],
        out_specs=pl.BlockSpec((BR, NNODES), lambda i: (i, 0)),
        out_shape=jax.ShapeDtypeStruct((NNODES, NNODES), jnp.float32),
        scratch_shapes=[pltpu.VMEM((BR, 1), jnp.float32)],
        compiler_params=pltpu.CompilerParams(
            dimension_semantics=("parallel",)),
    )(n1, n2)
    return out

# --- scband reference (transcript-rebuilt; emitter-appended) ---
"""Pipeline reference for scband-graph-constructor-47064251629860 (READ-ONLY COPY).

The authoritative reference and input builder live on the scoring server;
editing this copy changes nothing except your own understanding.
"""

import jax, jax.numpy as jnp
import numpy as np

NNODES = 4096
DIM = 32
K = 16
ALPHA = 3.0


def setup_inputs(seed: int = 0) -> dict:
    key = jax.random.key(seed)
    ks = jax.random.split(key, 7)
    idx = jnp.arange(NNODES, dtype=jnp.int32)
    # xavier-uniform-ish init for 2D params, uniform for 1D (matches _reset_parameters)
    lim_e = float(np.sqrt(6.0 / (NNODES + DIM)))
    lim_w = float(np.sqrt(6.0 / (DIM + DIM)))
    E1 = jax.random.uniform(ks[0], (NNODES, DIM), minval=-lim_e, maxval=lim_e, dtype=jnp.float32)
    E2 = jax.random.uniform(ks[1], (NNODES, DIM), minval=-lim_e, maxval=lim_e, dtype=jnp.float32)
    W1 = jax.random.uniform(ks[2], (DIM, DIM), minval=-lim_w, maxval=lim_w, dtype=jnp.float32)
    b1 = jax.random.uniform(ks[3], (DIM,), minval=0.0, maxval=1.0, dtype=jnp.float32)
    W2 = jax.random.uniform(ks[4], (DIM, DIM), minval=-lim_w, maxval=lim_w, dtype=jnp.float32)
    b2 = jax.random.uniform(ks[5], (DIM,), minval=0.0, maxval=1.0, dtype=jnp.float32)
    return {"idx": idx, "E1": E1, "E2": E2, "W1": W1, "b1": b1, "W2": W2, "b2": b2}


def reference(idx, E1, E2, W1, b1, W2, b2):
    # embedding lookup (gather)
    nodevec1 = jnp.take(E1, idx, axis=0)
    nodevec2 = jnp.take(E2, idx, axis=0)
    # linear + tanh saturation
    nodevec1 = jnp.tanh(ALPHA * (nodevec1 @ W1.T + b1))
    nodevec2 = jnp.tanh(ALPHA * (nodevec2 @ W2.T + b2))
    # asymmetric score matrix
    a = nodevec1 @ nodevec2.T - nodevec2 @ nodevec1.T
    A = jax.nn.relu(jnp.tanh(ALPHA * a))
    # per-row top-k -> scatter ones into mask (mirrors mask.scatter_(1, t1, s1.fill_(1)))
    s1, t1 = jax.lax.top_k(A, K)
    rows = jnp.arange(A.shape[0])[:, None]
    mask = jnp.zeros_like(A).at[rows, t1].set(1.0)
    return A * mask

if __name__ == "__main__":
    import jax
    _d = setup_inputs()
    print(jax.jit(kernel)(*tuple(_d.values())))

</pallas_src>

<mosaic_0001>
module attributes {stable_mosaic.version = 14 : i64} {
  func.func @_embed_body(%arg0: memref<4096x32xf32, #tpu.memory_space<vmem>>, %arg1: memref<32x32xf32, #tpu.memory_space<vmem>>, %arg2: memref<1x32xf32, #tpu.memory_space<vmem>>, %arg3: memref<4096x32xf32, #tpu.memory_space<vmem>>, %arg4: memref<32x32xf32, #tpu.memory_space<vmem>>, %arg5: memref<1x32xf32, #tpu.memory_space<vmem>>, %arg6: memref<4096x32xf32, #tpu.memory_space<vmem>>, %arg7: memref<4096x32xf32, #tpu.memory_space<vmem>>) attributes {dimension_semantics = [], scalar_prefetch = 0 : i64, scratch_operands = 0 : i64, tpu.core_type = #tpu.core_type<tc>} {
    %get3A = arith.constant 0 : index
    %get3A_0 = arith.constant 0 : index
    %get3A_1 = vector.load %arg0[%get3A, %get3A_0] : memref<4096x32xf32, #tpu.memory_space<vmem>>, vector<4096x32xf32>
    %get3A_2 = arith.constant 0 : index
    %get3A_3 = arith.constant 0 : index
    %get3A_4 = vector.load %arg1[%get3A_2, %get3A_3] : memref<32x32xf32, #tpu.memory_space<vmem>>, vector<32x32xf32>
    %dot_general3A = arith.constant dense<0.000000e+00> : vector<4096x32xf32>
    %dot_general3A_5 = tpu.matmul %get3A_1, %get3A_4, %dot_general3A {dimension_numbers = #tpu.dot_dimension_numbers<[1], [1], [0], [0], [0, 0, 1, 0], [], []>, transpose_lhs_hint = false} : vector<4096x32xf32>, vector<32x32xf32>, vector<4096x32xf32> -> vector<4096x32xf32>
    %get3A_6 = arith.constant 0 : index
    %get3A_7 = arith.constant 0 : index
    %get3A_8 = vector.load %arg3[%get3A_6, %get3A_7] : memref<4096x32xf32, #tpu.memory_space<vmem>>, vector<4096x32xf32>
    %get3A_9 = arith.constant 0 : index
    %get3A_10 = arith.constant 0 : index
    %get3A_11 = vector.load %arg4[%get3A_9, %get3A_10] : memref<32x32xf32, #tpu.memory_space<vmem>>, vector<32x32xf32>
    %dot_general3A_12 = arith.constant dense<0.000000e+00> : vector<4096x32xf32>
    %dot_general3A_13 = tpu.matmul %get3A_8, %get3A_11, %dot_general3A_12 {dimension_numbers = #tpu.dot_dimension_numbers<[1], [1], [0], [0], [0, 0, 1, 0], [], []>, transpose_lhs_hint = false} : vector<4096x32xf32>, vector<32x32xf32>, vector<4096x32xf32> -> vector<4096x32xf32>
    %get3A_14 = arith.constant 0 : index
    %get3A_15 = arith.constant 0 : index
    %get3A_16 = vector.load %arg2[%get3A_14, %get3A_15] : memref<1x32xf32, #tpu.memory_space<vmem>>, vector<1x32xf32>
    %add3A = vector.broadcast %get3A_16 : vector<1x32xf32> to vector<4096x32xf32>
    %add3A_17 = arith.addf %dot_general3A_5, %add3A : vector<4096x32xf32>
    %mul3A = arith.constant 3.000000e+00 : f32
    %mul3A_18 = vector.broadcast %mul3A : f32 to vector<4096x32xf32>
    %mul3A_19 = arith.mulf %mul3A_18, %add3A_17 : vector<4096x32xf32>
    %tanh3A = math.tanh %mul3A_19 : vector<4096x32xf32>
    %swap3A = arith.constant 0 : index
    %swap3A_20 = arith.constant 0 : index
    %swap3A_21 = vector.load %arg6[%swap3A, %swap3A_20] : memref<4096x32xf32, #tpu.memory_space<vmem>>, vector<4096x32xf32>
    tpu.vector_store %arg6[%swap3A, %swap3A_20], %tanh3A {strides = array<i32>} : memref<4096x32xf32, #tpu.memory_space<vmem>>, vector<4096x32xf32>,
    %get3A_22 = arith.constant 0 : index
    %get3A_23 = arith.constant 0 : index
    %get3A_24 = vector.load %arg5[%get3A_22, %get3A_23] : memref<1x32xf32, #tpu.memory_space<vmem>>, vector<1x32xf32>
    %add3A_25 = vector.broadcast %get3A_24 : vector<1x32xf32> to vector<4096x32xf32>
    %add3A_26 = arith.addf %dot_general3A_13, %add3A_25 : vector<4096x32xf32>
    %mul3A_27 = arith.constant 3.000000e+00 : f32
    %mul3A_28 = vector.broadcast %mul3A_27 : f32 to vector<4096x32xf32>
    %mul3A_29 = arith.mulf %mul3A_28, %add3A_26 : vector<4096x32xf32>
    %tanh3A_30 = math.tanh %mul3A_29 : vector<4096x32xf32>
    %swap3A_31 = arith.constant 0 : index
    %swap3A_32 = arith.constant 0 : index
    %swap3A_33 = vector.load %arg7[%swap3A_31, %swap3A_32] : memref<4096x32xf32, #tpu.memory_space<vmem>>, vector<4096x32xf32>
    tpu.vector_store %arg7[%swap3A_31, %swap3A_32], %tanh3A_30 {strides = array<i32>} : memref<4096x32xf32, #tpu.memory_space<vmem>>, vector<4096x32xf32>,
    return
  }
}

module attributes {stable_mosaic.version = 14 : i64} {
  func.func @_score_body(%arg0: i32, %arg1: memref<4096x32xf32, #tpu.memory_space<vmem>>, %arg2: memref<4096x32xf32, #tpu.memory_space<vmem>>, %arg3: memref<256x4096xf32, #tpu.memory_space<vmem>>, %arg4: memref<256x1xf32, #tpu.memory_space<vmem>>) attributes {dimension_semantics = [#tpu.dimension_semantics<parallel>], iteration_bounds = array<i64: 16>, scalar_prefetch = 0 : i64, scratch_operands = 1 : i64, tpu.core_type = #tpu.core_type<tc>, window_params = [{pipeline_mode = #tpu.pipeline_mode<synchronous>, transform_indices = @transform_0, window_bounds = array<i64: 4096, 32>}, {pipeline_mode = #tpu.pipeline_mode<synchronous>, transform_indices = @transform_1, window_bounds = array<i64: 4096, 32>}, {transform_indices = @transform_2, window_bounds = array<i64: 256, 4096>}]} {
    %mul3A = arith.constant 256 : i32
    %mul3A_0 = arith.muli %arg0, %mul3A : i32
    %get3A = arith.index_cast %mul3A_0 : i32 to index
    %get3A_1 = arith.constant 0 : index
    %get3A_2 = vector.load %arg1[%get3A, %get3A_1] : memref<4096x32xf32, #tpu.memory_space<vmem>>, vector<256x32xf32>
    %mul3A_3 = arith.constant 256 : i32
    %mul3A_4 = arith.muli %arg0, %mul3A_3 : i32
    %get3A_5 = arith.index_cast %mul3A_4 : i32 to index
    %get3A_6 = arith.constant 0 : index
    %get3A_7 = vector.load %arg2[%get3A_5, %get3A_6] : memref<4096x32xf32, #tpu.memory_space<vmem>>, vector<256x32xf32>
    %get3A_8 = arith.constant 0 : index
    %get3A_9 = arith.constant 0 : index
    %get3A_10 = vector.load %arg2[%get3A_8, %get3A_9] : memref<4096x32xf32, #tpu.memory_space<vmem>>, vector<4096x32xf32>
    %dot_general3A = arith.constant dense<0.000000e+00> : vector<256x4096xf32>
    %dot_general3A_11 = tpu.matmul %get3A_2, %get3A_10, %dot_general3A {dimension_numbers = #tpu.dot_dimension_numbers<[1], [1], [0], [0], [0, 0, 1, 0], [], []>, transpose_lhs_hint = false} : vector<256x32xf32>, vector<4096x32xf32>, vector<256x4096xf32> -> vector<256x4096xf32>
    %get3A_12 = arith.constant 0 : index
    %get3A_13 = arith.constant 0 : index
    %get3A_14 = vector.load %arg1[%get3A_12, %get3A_13] : memref<4096x32xf32, #tpu.memory_space<vmem>>, vector<4096x32xf32>
    %dot_general3A_15 = arith.constant dense<0.000000e+00> : vector<256x4096xf32>
    %dot_general3A_16 = tpu.matmul %get3A_7, %get3A_14, %dot_general3A_15 {dimension_numbers = #tpu.dot_dimension_numbers<[1], [1], [0], [0], [0, 0, 1, 0], [], []>, transpose_lhs_hint = false} : vector<256x32xf32>, vector<4096x32xf32>, vector<256x4096xf32> -> vector<256x4096xf32>
    %sub3A = arith.subf %dot_general3A_11, %dot_general3A_16 : vector<256x4096xf32>
    %mul3A_17 = arith.constant 3.000000e+00 : f32
    %mul3A_18 = vector.broadcast %mul3A_17 : f32 to vector<256x4096xf32>
    %mul3A_19 = arith.mulf %mul3A_18, %sub3A : vector<256x4096xf32>
    %tanh3A = math.tanh %mul3A_19 : vector<256x4096xf32>
    %max3A = arith.constant 0.000000e+00 : f32
    %max3A_20 = vector.broadcast %max3A : f32 to vector<256x4096xf32>
    %max3A_21 = arith.maximumf %tanh3A, %max3A_20 : vector<256x4096xf32>
    %reduce_max3A = arith.constant dense<0xFF800000> : vector<256xf32>
    %reduce_max3A_22 = vector.multi_reduction <maximumf>, %max3A_21, %reduce_max3A [1] : vector<256x4096xf32> to vector<256xf32>
    %broadcast_in_dim3A = vector.shape_cast %reduce_max3A_22 : vector<256xf32> to vector<256x1xf32>
    %ge3A = vector.broadcast %broadcast_in_dim3A : vector<256x1xf32> to vector<256x4096xf32>
    %ge3A_23 = arith.cmpf oge, %max3A_21, %ge3A : vector<256x4096xf32>
    %jit3A = arith.constant -1.000000e+00 : f32
    %broadcast_in_dim3A_24 = vector.broadcast %jit3A : f32 to vector<256x4096xf32>
    %select_n3A = arith.select %ge3A_23, %broadcast_in_dim3A_24, %max3A_21 : vector<256x4096xi1>, vector<256x4096xf32>
    %reduce_max3A_25 = arith.constant dense<0xFF800000> : vector<256xf32>
    %reduce_max3A_26 = vector.multi_reduction <maximumf>, %select_n3A, %reduce_max3A_25 [1] : vector<256x4096xf32> to vector<256xf32>
    %broadcast_in_dim3A_27 = vector.shape_cast %reduce_max3A_26 : vector<256xf32> to vector<256x1xf32>
    %ge3A_28 = vector.broadcast %broadcast_in_dim3A_27 : vector<256x1xf32> to vector<256x4096xf32>
    %ge3A_29 = arith.cmpf oge, %select_n3A, %ge3A_28 : vector<256x4096xf32>
    %jit3A_30 = arith.constant -1.000000e+00 : f32
    %broadcast_in_dim3A_31 = vector.broadcast %jit3A_30 : f32 to vector<256x4096xf32>
    %select_n3A_32 = arith.select %ge3A_29, %broadcast_in_dim3A_31, %select_n3A : vector<256x4096xi1>, vector<256x4096xf32>
    %reduce_max3A_33 = arith.constant dense<0xFF800000> : vector<256xf32>
    %reduce_max3A_34 = vector.multi_reduction <maximumf>, %select_n3A_32, %reduce_max3A_33 [1] : vector<256x4096xf32> to vector<256xf32>
    %broadcast_in_dim3A_35 = vector.shape_cast %reduce_max3A_34 : vector<256xf32> to vector<256x1xf32>
    %ge3A_36 = vector.broadcast %broadcast_in_dim3A_35 : vector<256x1xf32> to vector<256x4096xf32>
    %ge3A_37 = arith.cmpf oge, %select_n3A_32, %ge3A_36 : vector<256x4096xf32>
    %jit3A_38 = arith.constant -1.000000e+00 : f32
    %broadcast_in_dim3A_39 = vector.broadcast %jit3A_38 : f32 to vector<256x4096xf32>
    %select_n3A_40 = arith.select %ge3A_37, %broadcast_in_dim3A_39, %select_n3A_32 : vector<256x4096xi1>, vector<256x4096xf32>
    %reduce_max3A_41 = arith.constant dense<0xFF800000> : vector<256xf32>
    %reduce_max3A_42 = vector.multi_reduction <maximumf>, %select_n3A_40, %reduce_max3A_41 [1] : vector<256x4096xf32> to vector<256xf32>
    %broadcast_in_dim3A_43 = vector.shape_cast %reduce_max3A_42 : vector<256xf32> to vector<256x1xf32>
    %ge3A_44 = vector.broadcast %broadcast_in_dim3A_43 : vector<256x1xf32> to vector<256x4096xf32>
    %ge3A_45 = arith.cmpf oge, %select_n3A_40, %ge3A_44 : vector<256x4096xf32>
    %jit3A_46 = arith.constant -1.000000e+00 : f32
    %broadcast_in_dim3A_47 = vector.broadcast %jit3A_46 : f32 to vector<256x4096xf32>
    %select_n3A_48 = arith.select %ge3A_45, %broadcast_in_dim3A_47, %select_n3A_40 : vector<256x4096xi1>, vector<256x4096xf32>
    %reduce_max3A_49 = arith.constant dense<0xFF800000> : vector<256xf32>
    %reduce_max3A_50 = vector.multi_reduction <maximumf>, %select_n3A_48, %reduce_max3A_49 [1] : vector<256x4096xf32> to vector<256xf32>
    %broadcast_in_dim3A_51 = vector.shape_cast %reduce_max3A_50 : vector<256xf32> to vector<256x1xf32>
    %ge3A_52 = vector.broadcast %broadcast_in_dim3A_51 : vector<256x1xf32> to vector<256x4096xf32>
    %ge3A_53 = arith.cmpf oge, %select_n3A_48, %ge3A_52 : vector<256x4096xf32>
    %jit3A_54 = arith.constant -1.000000e+00 : f32
    %broadcast_in_dim3A_55 = vector.broadcast %jit3A_54 : f32 to vector<256x4096xf32>
    %select_n3A_56 = arith.select %ge3A_53, %broadcast_in_dim3A_55, %select_n3A_48 : vector<256x4096xi1>, vector<256x4096xf32>
    %reduce_max3A_57 = arith.constant dense<0xFF800000> : vector<256xf32>
    %reduce_max3A_58 = vector.multi_reduction <maximumf>, %select_n3A_56, %reduce_max3A_57 [1] : vector<256x4096xf32> to vector<256xf32>
    %broadcast_in_dim3A_59 = vector.shape_cast %reduce_max3A_58 : vector<256xf32> to vector<256x1xf32>
    %ge3A_60 = vector.broadcast %broadcast_in_dim3A_59 : vector<256x1xf32> to vector<256x4096xf32>
    %ge3A_61 = arith.cmpf oge, %select_n3A_56, %ge3A_60 : vector<256x4096xf32>
    %jit3A_62 = arith.constant -1.000000e+00 : f32
    %broadcast_in_dim3A_63 = vector.broadcast %jit3A_62 : f32 to vector<256x4096xf32>
    %select_n3A_64 = arith.select %ge3A_61, %broadcast_in_dim3A_63, %select_n3A_56 : vector<256x4096xi1>, vector<256x4096xf32>
    %reduce_max3A_65 = arith.constant dense<0xFF800000> : vector<256xf32>
    %reduce_max3A_66 = vector.multi_reduction <maximumf>, %select_n3A_64, %reduce_max3A_65 [1] : vector<256x4096xf32> to vector<256xf32>
    %broadcast_in_dim3A_67 = vector.shape_cast %reduce_max3A_66 : vector<256xf32> to vector<256x1xf32>
    %ge3A_68 = vector.broadcast %broadcast_in_dim3A_67 : vector<256x1xf32> to vector<256x4096xf32>
    %ge3A_69 = arith.cmpf oge, %select_n3A_64, %ge3A_68 : vector<256x4096xf32>
    %jit3A_70 = arith.constant -1.000000e+00 : f32
    %broadcast_in_dim3A_71 = vector.broadcast %jit3A_70 : f32 to vector<256x4096xf32>
    %select_n3A_72 = arith.select %ge3A_69, %broadcast_in_dim3A_71, %select_n3A_64 : vector<256x4096xi1>, vector<256x4096xf32>
    %reduce_max3A_73 = arith.constant dense<0xFF800000> : vector<256xf32>
    %reduce_max3A_74 = vector.multi_reduction <maximumf>, %select_n3A_72, %reduce_max3A_73 [1] : vector<256x4096xf32> to vector<256xf32>
    %broadcast_in_dim3A_75 = vector.shape_cast %reduce_max3A_74 : vector<256xf32> to vector<256x1xf32>
    %ge3A_76 = vector.broadcast %broadcast_in_dim3A_75 : vector<256x1xf32> to vector<256x4096xf32>
    %ge3A_77 = arith.cmpf oge, %select_n3A_72, %ge3A_76 : vector<256x4096xf32>
    %jit3A_78 = arith.constant -1.000000e+00 : f32
    %broadcast_in_dim3A_79 = vector.broadcast %jit3A_78 : f32 to vector<256x4096xf32>
    %select_n3A_80 = arith.select %ge3A_77, %broadcast_in_dim3A_79, %select_n3A_72 : vector<256x4096xi1>, vector<256x4096xf32>
    %reduce_max3A_81 = arith.constant dense<0xFF800000> : vector<256xf32>
    %reduce_max3A_82 = vector.multi_reduction <maximumf>, %select_n3A_80, %reduce_max3A_81 [1] : vector<256x4096xf32> to vector<256xf32>
    %broadcast_in_dim3A_83 = vector.shape_cast %reduce_max3A_82 : vector<256xf32> to vector<256x1xf32>
    %ge3A_84 = vector.broadcast %broadcast_in_dim3A_83 : vector<256x1xf32> to vector<256x4096xf32>
    %ge3A_85 = arith.cmpf oge, %select_n3A_80, %ge3A_84 : vector<256x4096xf32>
    %jit3A_86 = arith.constant -1.000000e+00 : f32
    %broadcast_in_dim3A_87 = vector.broadcast %jit3A_86 : f32 to vector<256x4096xf32>
    %select_n3A_88 = arith.select %ge3A_85, %broadcast_in_dim3A_87, %select_n3A_80 : vector<256x4096xi1>, vector<256x4096xf32>
    %reduce_max3A_89 = arith.constant dense<0xFF800000> : vector<256xf32>
    %reduce_max3A_90 = vector.multi_reduction <maximumf>, %select_n3A_88, %reduce_max3A_89 [1] : vector<256x4096xf32> to vector<256xf32>
    %broadcast_in_dim3A_91 = vector.shape_cast %reduce_max3A_90 : vector<256xf32> to vector<256x1xf32>
    %ge3A_92 = vector.broadcast %broadcast_in_dim3A_91 : vector<256x1xf32> to vector<256x4096xf32>
    %ge3A_93 = arith.cmpf oge, %select_n3A_88, %ge3A_92 : vector<256x4096xf32>
    %jit3A_94 = arith.constant -1.000000e+00 : f32
    %broadcast_in_dim3A_95 = vector.broadcast %jit3A_94 : f32 to vector<256x4096xf32>
    %select_n3A_96 = arith.select %ge3A_93, %broadcast_in_dim3A_95, %select_n3A_88 : vector<256x4096xi1>, vector<256x4096xf32>
    %reduce_max3A_97 = arith.constant dense<0xFF800000> : vector<256xf32>
    %reduce_max3A_98 = vector.multi_reduction <maximumf>, %select_n3A_96, %reduce_max3A_97 [1] : vector<256x4096xf32> to vector<256xf32>
    %broadcast_in_dim3A_99 = vector.shape_cast %reduce_max3A_98 : vector<256xf32> to vector<256x1xf32>
    %ge3A_100 = vector.broadcast %broadcast_in_dim3A_99 : vector<256x1xf32> to vector<256x4096xf32>
    %ge3A_101 = arith.cmpf oge, %select_n3A_96, %ge3A_100 : vector<256x4096xf32>
    %jit3A_102 = arith.constant -1.000000e+00 : f32
    %broadcast_in_dim3A_103 = vector.broadcast %jit3A_102 : f32 to vector<256x4096xf32>
    %select_n3A_104 = arith.select %ge3A_101, %broadcast_in_dim3A_103, %select_n3A_96 : vector<256x4096xi1>, vector<256x4096xf32>
    %reduce_max3A_105 = arith.constant dense<0xFF800000> : vector<256xf32>
    %reduce_max3A_106 = vector.multi_reduction <maximumf>, %select_n3A_104, %reduce_max3A_105 [1] : vector<256x4096xf32> to vector<256xf32>
    %broadcast_in_dim3A_107 = vector.shape_cast %reduce_max3A_106 : vector<256xf32> to vector<256x1xf32>
    %ge3A_108 = vector.broadcast %broadcast_in_dim3A_107 : vector<256x1xf32> to vector<256x4096xf32>
    %ge3A_109 = arith.cmpf oge, %select_n3A_104, %ge3A_108 : vector<256x4096xf32>
    %jit3A_110 = arith.constant -1.000000e+00 : f32
    %broadcast_in_dim3A_111 = vector.broadcast %jit3A_110 : f32 to vector<256x4096xf32>
    %select_n3A_112 = arith.select %ge3A_109, %broadcast_in_dim3A_111, %select_n3A_104 : vector<256x4096xi1>, vector<256x4096xf32>
    %reduce_max3A_113 = arith.constant dense<0xFF800000> : vector<256xf32>
    %reduce_max3A_114 = vector.multi_reduction <maximumf>, %select_n3A_112, %reduce_max3A_113 [1] : vector<256x4096xf32> to vector<256xf32>
    %broadcast_in_dim3A_115 = vector.shape_cast %reduce_max3A_114 : vector<256xf32> to vector<256x1xf32>
    %ge3A_116 = vector.broadcast %broadcast_in_dim3A_115 : vector<256x1xf32> to vector<256x4096xf32>
    %ge3A_117 = arith.cmpf oge, %select_n3A_112, %ge3A_116 : vector<256x4096xf32>
    %jit3A_118 = arith.constant -1.000000e+00 : f32
    %broadcast_in_dim3A_119 = vector.broadcast %jit3A_118 : f32 to vector<256x4096xf32>
    %select_n3A_120 = arith.select %ge3A_117, %broadcast_in_dim3A_119, %select_n3A_112 : vector<256x4096xi1>, vector<256x4096xf32>
    %reduce_max3A_121 = arith.constant dense<0xFF800000> : vector<256xf32>
    %reduce_max3A_122 = vector.multi_reduction <maximumf>, %select_n3A_120, %reduce_max3A_121 [1] : vector<256x4096xf32> to vector<256xf32>
    %broadcast_in_dim3A_123 = vector.shape_cast %reduce_max3A_122 : vector<256xf32> to vector<256x1xf32>
    %ge3A_124 = vector.broadcast %broadcast_in_dim3A_123 : vector<256x1xf32> to vector<256x4096xf32>
    %ge3A_125 = arith.cmpf oge, %select_n3A_120, %ge3A_124 : vector<256x4096xf32>
    %jit3A_126 = arith.constant -1.000000e+00 : f32
    %broadcast_in_dim3A_127 = vector.broadcast %jit3A_126 : f32 to vector<256x4096xf32>
    %select_n3A_128 = arith.select %ge3A_125, %broadcast_in_dim3A_127, %select_n3A_120 : vector<256x4096xi1>, vector<256x4096xf32>
    %reduce_max3A_129 = arith.constant dense<0xFF800000> : vector<256xf32>
    %reduce_max3A_130 = vector.multi_reduction <maximumf>, %select_n3A_128, %reduce_max3A_129 [1] : vector<256x4096xf32> to vector<256xf32>
    %broadcast_in_dim3A_131 = vector.shape_cast %reduce_max3A_130 : vector<256xf32> to vector<256x1xf32>
    %ge3A_132 = vector.broadcast %broadcast_in_dim3A_131 : vector<256x1xf32> to vector<256x4096xf32>
    %ge3A_133 = arith.cmpf oge, %select_n3A_128, %ge3A_132 : vector<256x4096xf32>
    %jit3A_134 = arith.constant -1.000000e+00 : f32
    %broadcast_in_dim3A_135 = vector.broadcast %jit3A_134 : f32 to vector<256x4096xf32>
    %select_n3A_136 = arith.select %ge3A_133, %broadcast_in_dim3A_135, %select_n3A_128 : vector<256x4096xi1>, vector<256x4096xf32>
    %reduce_max3A_137 = arith.constant dense<0xFF800000> : vector<256xf32>
    %reduce_max3A_138 = vector.multi_reduction <maximumf>, %select_n3A_136, %reduce_max3A_137 [1] : vector<256x4096xf32> to vector<256xf32>
    %broadcast_in_dim3A_139 = vector.shape_cast %reduce_max3A_138 : vector<256xf32> to vector<256x1xf32>
    %max3A_140 = arith.constant 0.000000e+00 : f32
    %max3A_141 = vector.broadcast %max3A_140 : f32 to vector<256x1xf32>
    %max3A_142 = arith.maximumf %broadcast_in_dim3A_139, %max3A_141 : vector<256x1xf32>
    %swap3A = arith.constant 0 : index
    %swap3A_143 = arith.constant 0 : index
    %swap3A_144 = vector.load %arg4[%swap3A, %swap3A_143] : memref<256x1xf32, #tpu.memory_space<vmem>>, vector<256x1xf32>
    tpu.vector_store %arg4[%swap3A, %swap3A_143], %max3A_142 {strides = array<i32>} : memref<256x1xf32, #tpu.memory_space<vmem>>, vector<256x1xf32>,
    %get3A_145 = arith.constant 0 : index
    %get3A_146 = arith.constant 0 : index
    %get3A_147 = vector.load %arg4[%get3A_145, %get3A_146] : memref<256x1xf32, #tpu.memory_space<vmem>>, vector<256x1xf32>
    %gt3A = vector.broadcast %get3A_147 : vector<256x1xf32> to vector<256x4096xf32>
    %gt3A_148 = arith.cmpf ogt, %max3A_21, %gt3A : vector<256x4096xf32>
    %convert_element_type3A = arith.extui %gt3A_148 : vector<256x4096xi1> to vector<256x4096xi32>
    %convert_element_type3A_149 = arith.sitofp %convert_element_type3A : vector<256x4096xi32> to vector<256x4096xf32>
    %reduce_sum3A = arith.constant dense<0.000000e+00> : vector<256xf32>
    %reduce_sum3A_150 = vector.multi_reduction <add>, %convert_element_type3A_149, %reduce_sum3A [1] : vector<256x4096xf32> to vector<256xf32>
    %broadcast_in_dim3A_151 = vector.shape_cast %reduce_sum3A_150 : vector<256xf32> to vector<256x1xf32>
    %reduce_max3A_152 = vector.shape_cast %broadcast_in_dim3A_151 : vector<256x1xf32> to vector<1x256x1xf32>
    %reduce_max3A_153 = arith.constant dense<0xFF800000> : vector<1xf32>
    %reduce_max3A_154 = vector.multi_reduction <maximumf>, %reduce_max3A_152, %reduce_max3A_153 [1, 2] : vector<1x256x1xf32> to vector<1xf32>
    %reduce_max3A_155 = vector.shape_cast %reduce_max3A_154 : vector<1xf32> to vector<1x1x1xf32>
    %reduce_max3A_156 = vector.extract %reduce_max3A_155[0, 0, 0] : f32 from vector<1x1x1xf32>
    %gt3A_157 = arith.constant 1.600000e+01 : f32
    %gt3A_158 = arith.cmpf ogt, %reduce_max3A_156, %gt3A_157 : f32
    %convert_element_type3A_159 = arith.extui %gt3A_158 : i1 to i32
    %cond3A = arith.constant 0 : i32
    %cond3A_160 = arith.cmpi ne, %convert_element_type3A_159, %cond3A : i32
    scf.if %cond3A_160 {
      %broadcast_in_dim3A_402 = arith.constant -1.000000e+00 : f32
      %broadcast_in_dim3A_403 = vector.broadcast %broadcast_in_dim3A_402 : f32 to vector<256x1xf32>
      %broadcast_in_dim3A_404 = arith.constant 0.000000e+00 : f32
      %broadcast_in_dim3A_405 = vector.broadcast %broadcast_in_dim3A_404 : f32 to vector<256x1xf32>
      %reduce_max3A_406 = arith.constant dense<0xFF800000> : vector<256xf32>
      %reduce_max3A_407 = vector.multi_reduction <maximumf>, %max3A_21, %reduce_max3A_406 [1] : vector<256x4096xf32> to vector<256xf32>
      %broadcast_in_dim3A_408 = vector.shape_cast %reduce_max3A_407 : vector<256xf32> to vector<256x1xf32>
      %eq3A_409 = vector.broadcast %broadcast_in_dim3A_408 : vector<256x1xf32> to vector<256x4096xf32>
      %eq3A_410 = arith.cmpf oeq, %max3A_21, %eq3A_409 : vector<256x4096xf32>
      %convert_element_type3A_411 = arith.extui %eq3A_410 : vector<256x4096xi1> to vector<256x4096xi32>
      %convert_element_type3A_412 = arith.sitofp %convert_element_type3A_411 : vector<256x4096xi32> to vector<256x4096xf32>
      %reduce_sum3A_413 = arith.constant dense<0.000000e+00> : vector<256xf32>
      %reduce_sum3A_414 = vector.multi_reduction <add>, %convert_element_type3A_412, %reduce_sum3A_413 [1] : vector<256x4096xf32> to vector<256xf32>
      %broadcast_in_dim3A_415 = vector.shape_cast %reduce_sum3A_414 : vector<256xf32> to vector<256x1xf32>
      %lt3A_416 = arith.constant 1.600000e+01 : f32
      %lt3A_417 = vector.broadcast %lt3A_416 : f32 to vector<256x1xf32>
      %lt3A_418 = arith.cmpf olt, %broadcast_in_dim3A_405, %lt3A_417 : vector<256x1xf32>
      %select_n3A_419 = arith.select %lt3A_418, %broadcast_in_dim3A_408, %broadcast_in_dim3A_403 : vector<256x1xi1>, vector<256x1xf32>
      %add3A_420 = arith.addf %broadcast_in_dim3A_405, %broadcast_in_dim3A_415 : vector<256x1xf32>
      %select_n3A_421 = arith.select %lt3A_418, %add3A_420, %broadcast_in_dim3A_405 : vector<256x1xi1>, vector<256x1xf32>
      %jit3A_422 = arith.constant -1.000000e+00 : f32
      %broadcast_in_dim3A_423 = vector.broadcast %jit3A_422 : f32 to vector<256x4096xf32>
      %select_n3A_424 = arith.select %eq3A_410, %broadcast_in_dim3A_423, %max3A_21 : vector<256x4096xi1>, vector<256x4096xf32>
      %reduce_max3A_425 = arith.constant dense<0xFF800000> : vector<256xf32>
      %reduce_max3A_426 = vector.multi_reduction <maximumf>, %select_n3A_424, %reduce_max3A_425 [1] : vector<256x4096xf32> to vector<256xf32>
      %broadcast_in_dim3A_427 = vector.shape_cast %reduce_max3A_426 : vector<256xf32> to vector<256x1xf32>
      %eq3A_428 = vector.broadcast %broadcast_in_dim3A_427 : vector<256x1xf32> to vector<256x4096xf32>
      %eq3A_429 = arith.cmpf oeq, %select_n3A_424, %eq3A_428 : vector<256x4096xf32>
      %convert_element_type3A_430 = arith.extui %eq3A_429 : vector<256x4096xi1> to vector<256x4096xi32>
      %convert_element_type3A_431 = arith.sitofp %convert_element_type3A_430 : vector<256x4096xi32> to vector<256x4096xf32>
      %reduce_sum3A_432 = arith.constant dense<0.000000e+00> : vector<256xf32>
      %reduce_sum3A_433 = vector.multi_reduction <add>, %convert_element_type3A_431, %reduce_sum3A_432 [1] : vector<256x4096xf32> to vector<256xf32>
      %broadcast_in_dim3A_434 = vector.shape_cast %reduce_sum3A_433 : vector<256xf32> to vector<256x1xf32>
      %lt3A_435 = arith.constant 1.600000e+01 : f32
      %lt3A_436 = vector.broadcast %lt3A_435 : f32 to vector<256x1xf32>
      %lt3A_437 = arith.cmpf olt, %select_n3A_421, %lt3A_436 : vector<256x1xf32>
      %select_n3A_438 = arith.select %lt3A_437, %broadcast_in_dim3A_427, %select_n3A_419 : vector<256x1xi1>, vector<256x1xf32>
      %add3A_439 = arith.addf %select_n3A_421, %broadcast_in_dim3A_434 : vector<256x1xf32>
      %select_n3A_440 = arith.select %lt3A_437, %add3A_439, %select_n3A_421 : vector<256x1xi1>, vector<256x1xf32>
      %jit3A_441 = arith.constant -1.000000e+00 : f32
      %broadcast_in_dim3A_442 = vector.broadcast %jit3A_441 : f32 to vector<256x4096xf32>
      %select_n3A_443 = arith.select %eq3A_429, %broadcast_in_dim3A_442, %select_n3A_424 : vector<256x4096xi1>, vector<256x4096xf32>
      %reduce_max3A_444 = arith.constant dense<0xFF800000> : vector<256xf32>
      %reduce_max3A_445 = vector.multi_reduction <maximumf>, %select_n3A_443, %reduce_max3A_444 [1] : vector<256x4096xf32> to vector<256xf32>
      %broadcast_in_dim3A_446 = vector.shape_cast %reduce_max3A_445 : vector<256xf32> to vector<256x1xf32>
      %eq3A_447 = vector.broadcast %broadcast_in_dim3A_446 : vector<256x1xf32> to vector<256x4096xf32>
      %eq3A_448 = arith.cmpf oeq, %select_n3A_443, %eq3A_447 : vector<256x4096xf32>
      %convert_element_type3A_449 = arith.extui %eq3A_448 : vector<256x4096xi1> to vector<256x4096xi32>
      %convert_element_type3A_450 = arith.sitofp %convert_element_type3A_449 : vector<256x4096xi32> to vector<256x4096xf32>
      %reduce_sum3A_451 = arith.constant dense<0.000000e+00> : vector<256xf32>
      %reduce_sum3A_452 = vector.multi_reduction <add>, %convert_element_type3A_450, %reduce_sum3A_451 [1] : vector<256x4096xf32> to vector<256xf32>
      %broadcast_in_dim3A_453 = vector.shape_cast %reduce_sum3A_452 : vector<256xf32> to vector<256x1xf32>
      %lt3A_454 = arith.constant 1.600000e+01 : f32
      %lt3A_455 = vector.broadcast %lt3A_454 : f32 to vector<256x1xf32>
      %lt3A_456 = arith.cmpf olt, %select_n3A_440, %lt3A_455 : vector<256x1xf32>
      %select_n3A_457 = arith.select %lt3A_456, %broadcast_in_dim3A_446, %select_n3A_438 : vector<256x1xi1>, vector<256x1xf32>
      %add3A_458 = arith.addf %select_n3A_440, %broadcast_in_dim3A_453 : vector<256x1xf32>
      %select_n3A_459 = arith.select %lt3A_456, %add3A_458, %select_n3A_440 : vector<256x1xi1>, vector<256x1xf32>
      %jit3A_460 = arith.constant -1.000000e+00 : f32
      %broadcast_in_dim3A_461 = vector.broadcast %jit3A_460 : f32 to vector<256x4096xf32>
      %select_n3A_462 = arith.select %eq3A_448, %broadcast_in_dim3A_461, %select_n3A_443 : vector<256x4096xi1>, vector<256x4096xf32>
      %reduce_max3A_463 = arith.constant dense<0xFF800000> : vector<256xf32>
      %reduce_max3A_464 = vector.multi_reduction <maximumf>, %select_n3A_462, %reduce_max3A_463 [1] : vector<256x4096xf32> to vector<256xf32>
      %broadcast_in_dim3A_465 = vector.shape_cast %reduce_max3A_464 : vector<256xf32> to vector<256x1xf32>
      %eq3A_466 = vector.broadcast %broadcast_in_dim3A_465 : vector<256x1xf32> to vector<256x4096xf32>
      %eq3A_467 = arith.cmpf oeq, %select_n3A_462, %eq3A_466 : vector<256x4096xf32>
      %convert_element_type3A_468 = arith.extui %eq3A_467 : vector<256x4096xi1> to vector<256x4096xi32>
      %convert_element_type3A_469 = arith.sitofp %convert_element_type3A_468 : vector<256x4096xi32> to vector<256x4096xf32>
      %reduce_sum3A_470 = arith.constant dense<0.000000e+00> : vector<256xf32>
      %reduce_sum3A_471 = vector.multi_reduction <add>, %convert_element_type3A_469, %reduce_sum3A_470 [1] : vector<256x4096xf32> to vector<256xf32>
      %broadcast_in_dim3A_472 = vector.shape_cast %reduce_sum3A_471 : vector<256xf32> to vector<256x1xf32>
      %lt3A_473 = arith.constant 1.600000e+01 : f32
      %lt3A_474 = vector.broadcast %lt3A_473 : f32 to vector<256x1xf32>
      %lt3A_475 = arith.cmpf olt, %select_n3A_459, %lt3A_474 : vector<256x1xf32>
      %select_n3A_476 = arith.select %lt3A_475, %broadcast_in_dim3A_465, %select_n3A_457 : vector<256x1xi1>, vector<256x1xf32>
      %add3A_477 = arith.addf %select_n3A_459, %broadcast_in_dim3A_472 : vector<256x1xf32>
      %select_n3A_478 = arith.select %lt3A_475, %add3A_477, %select_n3A_459 : vector<256x1xi1>, vector<256x1xf32>
      %jit3A_479 = arith.constant -1.000000e+00 : f32
      %broadcast_in_dim3A_480 = vector.broadcast %jit3A_479 : f32 to vector<256x4096xf32>
      %select_n3A_481 = arith.select %eq3A_467, %broadcast_in_dim3A_480, %select_n3A_462 : vector<256x4096xi1>, vector<256x4096xf32>
      %reduce_max3A_482 = arith.constant dense<0xFF800000> : vector<256xf32>
      %reduce_max3A_483 = vector.multi_reduction <maximumf>, %select_n3A_481, %reduce_max3A_482 [1] : vector<256x4096xf32> to vector<256xf32>
      %broadcast_in_dim3A_484 = vector.shape_cast %reduce_max3A_483 : vector<256xf32> to vector<256x1xf32>
      %eq3A_485 = vector.broadcast %broadcast_in_dim3A_484 : vector<256x1xf32> to vector<256x4096xf32>
      %eq3A_486 = arith.cmpf oeq, %select_n3A_481, %eq3A_485 : vector<256x4096xf32>
      %convert_element_type3A_487 = arith.extui %eq3A_486 : vector<256x4096xi1> to vector<256x4096xi32>
      %convert_element_type3A_488 = arith.sitofp %convert_element_type3A_487 : vector<256x4096xi32> to vector<256x4096xf32>
      %reduce_sum3A_489 = arith.constant dense<0.000000e+00> : vector<256xf32>
      %reduce_sum3A_490 = vector.multi_reduction <add>, %convert_element_type3A_488, %reduce_sum3A_489 [1] : vector<256x4096xf32> to vector<256xf32>
      %broadcast_in_dim3A_491 = vector.shape_cast %reduce_sum3A_490 : vector<256xf32> to vector<256x1xf32>
      %lt3A_492 = arith.constant 1.600000e+01 : f32
      %lt3A_493 = vector.broadcast %lt3A_492 : f32 to vector<256x1xf32>
      %lt3A_494 = arith.cmpf olt, %select_n3A_478, %lt3A_493 : vector<256x1xf32>
      %select_n3A_495 = arith.select %lt3A_494, %broadcast_in_dim3A_484, %select_n3A_476 : vector<256x1xi1>, vector<256x1xf32>
      %add3A_496 = arith.addf %select_n3A_478, %broadcast_in_dim3A_491 : vector<256x1xf32>
      %select_n3A_497 = arith.select %lt3A_494, %add3A_496, %select_n3A_478 : vector<256x1xi1>, vector<256x1xf32>
      %jit3A_498 = arith.constant -1.000000e+00 : f32
      %broadcast_in_dim3A_499 = vector.broadcast %jit3A_498 : f32 to vector<256x4096xf32>
      %select_n3A_500 = arith.select %eq3A_486, %broadcast_in_dim3A_499, %select_n3A_481 : vector<256x4096xi1>, vector<256x4096xf32>
      %reduce_max3A_501 = arith.constant dense<0xFF800000> : vector<256xf32>
      %reduce_max3A_502 = vector.multi_reduction <maximumf>, %select_n3A_500, %reduce_max3A_501 [1] : vector<256x4096xf32> to vector<256xf32>
      %broadcast_in_dim3A_503 = vector.shape_cast %reduce_max3A_502 : vector<256xf32> to vector<256x1xf32>
      %eq3A_504 = vector.broadcast %broadcast_in_dim3A_503 : vector<256x1xf32> to vector<256x4096xf32>
      %eq3A_505 = arith.cmpf oeq, %select_n3A_500, %eq3A_504 : vector<256x4096xf32>
      %convert_element_type3A_506 = arith.extui %eq3A_505 : vector<256x4096xi1> to vector<256x4096xi32>
      %convert_element_type3A_507 = arith.sitofp %convert_element_type3A_506 : vector<256x4096xi32> to vector<256x4096xf32>
      %reduce_sum3A_508 = arith.constant dense<0.000000e+00> : vector<256xf32>
      %reduce_sum3A_509 = vector.multi_reduction <add>, %convert_element_type3A_507, %reduce_sum3A_508 [1] : vector<256x4096xf32> to vector<256xf32>
      %broadcast_in_dim3A_510 = vector.shape_cast %reduce_sum3A_509 : vector<256xf32> to vector<256x1xf32>
      %lt3A_511 = arith.constant 1.600000e+01 : f32
      %lt3A_512 = vector.broadcast %lt3A_511 : f32 to vector<256x1xf32>
      %lt3A_513 = arith.cmpf olt, %select_n3A_497, %lt3A_512 : vector<256x1xf32>
      %select_n3A_514 = arith.select %lt3A_513, %broadcast_in_dim3A_503, %select_n3A_495 : vector<256x1xi1>, vector<256x1xf32>
      %add3A_515 = arith.addf %select_n3A_497, %broadcast_in_dim3A_510 : vector<256x1xf32>
      %select_n3A_516 = arith.select %lt3A_513, %add3A_515, %select_n3A_497 : vector<256x1xi1>, vector<256x1xf32>
      %jit3A_517 = arith.constant -1.000000e+00 : f32
      %broadcast_in_dim3A_518 = vector.broadcast %jit3A_517 : f32 to vector<256x4096xf32>
      %select_n3A_519 = arith.select %eq3A_505, %broadcast_in_dim3A_518, %select_n3A_500 : vector<256x4096xi1>, vector<256x4096xf32>
      %reduce_max3A_520 = arith.constant dense<0xFF800000> : vector<256xf32>
      %reduce_max3A_521 = vector.multi_reduction <maximumf>, %select_n3A_519, %reduce_max3A_520 [1] : vector<256x4096xf32> to vector<256xf32>
      %broadcast_in_dim3A_522 = vector.shape_cast %reduce_max3A_521 : vector<256xf32> to vector<256x1xf32>
      %eq3A_523 = vector.broadcast %broadcast_in_dim3A_522 : vector<256x1xf32> to vector<256x4096xf32>
      %eq3A_524 = arith.cmpf oeq, %select_n3A_519, %eq3A_523 : vector<256x4096xf32>
      %convert_element_type3A_525 = arith.extui %eq3A_524 : vector<256x4096xi1> to vector<256x4096xi32>
      %convert_element_type3A_526 = arith.sitofp %convert_element_type3A_525 : vector<256x4096xi32> to vector<256x4096xf32>
      %reduce_sum3A_527 = arith.constant dense<0.000000e+00> : vector<256xf32>
      %reduce_sum3A_528 = vector.multi_reduction <add>, %convert_element_type3A_526, %reduce_sum3A_527 [1] : vector<256x4096xf32> to vector<256xf32>
      %broadcast_in_dim3A_529 = vector.shape_cast %reduce_sum3A_528 : vector<256xf32> to vector<256x1xf32>
      %lt3A_530 = arith.constant 1.600000e+01 : f32
      %lt3A_531 = vector.broadcast %lt3A_530 : f32 to vector<256x1xf32>
      %lt3A_532 = arith.cmpf olt, %select_n3A_516, %lt3A_531 : vector<256x1xf32>
      %select_n3A_533 = arith.select %lt3A_532, %broadcast_in_dim3A_522, %select_n3A_514 : vector<256x1xi1>, vector<256x1xf32>
      %add3A_534 = arith.addf %select_n3A_516, %broadcast_in_dim3A_529 : vector<256x1xf32>
      %select_n3A_535 = arith.select %lt3A_532, %add3A_534, %select_n3A_516 : vector<256x1xi1>, vector<256x1xf32>
      %jit3A_536 = arith.constant -1.000000e+00 : f32
      %broadcast_in_dim3A_537 = vector.broadcast %jit3A_536 : f32 to vector<256x4096xf32>
      %select_n3A_538 = arith.select %eq3A_524, %broadcast_in_dim3A_537, %select_n3A_519 : vector<256x4096xi1>, vector<256x4096xf32>
      %reduce_max3A_539 = arith.constant dense<0xFF800000> : vector<256xf32>
      %reduce_max3A_540 = vector.multi_reduction <maximumf>, %select_n3A_538, %reduce_max3A_539 [1] : vector<256x4096xf32> to vector<256xf32>
      %broadcast_in_dim3A_541 = vector.shape_cast %reduce_max3A_540 : vector<256xf32> to vector<256x1xf32>
      %eq3A_542 = vector.broadcast %broadcast_in_dim3A_541 : vector<256x1xf32> to vector<256x4096xf32>
      %eq3A_543 = arith.cmpf oeq, %select_n3A_538, %eq3A_542 : vector<256x4096xf32>
      %convert_element_type3A_544 = arith.extui %eq3A_543 : vector<256x4096xi1> to vector<256x4096xi32>
      %convert_element_type3A_545 = arith.sitofp %convert_element_type3A_544 : vector<256x4096xi32> to vector<256x4096xf32>
      %reduce_sum3A_546 = arith.constant dense<0.000000e+00> : vector<256xf32>
      %reduce_sum3A_547 = vector.multi_reduction <add>, %convert_element_type3A_545, %reduce_sum3A_546 [1] : vector<256x4096xf32> to vector<256xf32>
      %broadcast_in_dim3A_548 = vector.shape_cast %reduce_sum3A_547 : vector<256xf32> to vector<256x1xf32>
      %lt3A_549 = arith.constant 1.600000e+01 : f32
      %lt3A_550 = vector.broadcast %lt3A_549 : f32 to vector<256x1xf32>
      %lt3A_551 = arith.cmpf olt, %select_n3A_535, %lt3A_550 : vector<256x1xf32>
      %select_n3A_552 = arith.select %lt3A_551, %broadcast_in_dim3A_541, %select_n3A_533 : vector<256x1xi1>, vector<256x1xf32>
      %add3A_553 = arith.addf %select_n3A_535, %broadcast_in_dim3A_548 : vector<256x1xf32>
      %select_n3A_554 = arith.select %lt3A_551, %add3A_553, %select_n3A_535 : vector<256x1xi1>, vector<256x1xf32>
      %jit3A_555 = arith.constant -1.000000e+00 : f32
      %broadcast_in_dim3A_556 = vector.broadcast %jit3A_555 : f32 to vector<256x4096xf32>
      %select_n3A_557 = arith.select %eq3A_543, %broadcast_in_dim3A_556, %select_n3A_538 : vector<256x4096xi1>, vector<256x4096xf32>
      %reduce_max3A_558 = arith.constant dense<0xFF800000> : vector<256xf32>
      %reduce_max3A_559 = vector.multi_reduction <maximumf>, %select_n3A_557, %reduce_max3A_558 [1] : vector<256x4096xf32> to vector<256xf32>
      %broadcast_in_dim3A_560 = vector.shape_cast %reduce_max3A_559 : vector<256xf32> to vector<256x1xf32>
      %eq3A_561 = vector.broadcast %broadcast_in_dim3A_560 : vector<256x1xf32> to vector<256x4096xf32>
      %eq3A_562 = arith.cmpf oeq, %select_n3A_557, %eq3A_561 : vector<256x4096xf32>
      %convert_element_type3A_563 = arith.extui %eq3A_562 : vector<256x4096xi1> to vector<256x4096xi32>
      %convert_element_type3A_564 = arith.sitofp %convert_element_type3A_563 : vector<256x4096xi32> to vector<256x4096xf32>
      %reduce_sum3A_565 = arith.constant dense<0.000000e+00> : vector<256xf32>
      %reduce_sum3A_566 = vector.multi_reduction <add>, %convert_element_type3A_564, %reduce_sum3A_565 [1] : vector<256x4096xf32> to vector<256xf32>
      %broadcast_in_dim3A_567 = vector.shape_cast %reduce_sum3A_566 : vector<256xf32> to vector<256x1xf32>
      %lt3A_568 = arith.constant 1.600000e+01 : f32
      %lt3A_569 = vector.broadcast %lt3A_568 : f32 to vector<256x1xf32>
      %lt3A_570 = arith.cmpf olt, %select_n3A_554, %lt3A_569 : vector<256x1xf32>
      %select_n3A_571 = arith.select %lt3A_570, %broadcast_in_dim3A_560, %select_n3A_552 : vector<256x1xi1>, vector<256x1xf32>
      %add3A_572 = arith.addf %select_n3A_554, %broadcast_in_dim3A_567 : vector<256x1xf32>
      %select_n3A_573 = arith.select %lt3A_570, %add3A_572, %select_n3A_554 : vector<256x1xi1>, vector<256x1xf32>
      %jit3A_574 = arith.constant -1.000000e+00 : f32
      %broadcast_in_dim3A_575 = vector.broadcast %jit3A_574 : f32 to vector<256x4096xf32>
      %select_n3A_576 = arith.select %eq3A_562, %broadcast_in_dim3A_575, %select_n3A_557 : vector<256x4096xi1>, vector<256x4096xf32>
      %reduce_max3A_577 = arith.constant dense<0xFF800000> : vector<256xf32>
      %reduce_max3A_578 = vector.multi_reduction <maximumf>, %select_n3A_576, %reduce_max3A_577 [1] : vector<256x4096xf32> to vector<256xf32>
      %broadcast_in_dim3A_579 = vector.shape_cast %reduce_max3A_578 : vector<256xf32> to vector<256x1xf32>
      %eq3A_580 = vector.broadcast %broadcast_in_dim3A_579 : vector<256x1xf32> to vector<256x4096xf32>
      %eq3A_581 = arith.cmpf oeq, %select_n3A_576, %eq3A_580 : vector<256x4096xf32>
      %convert_element_type3A_582 = arith.extui %eq3A_581 : vector<256x4096xi1> to vector<256x4096xi32>
      %convert_element_type3A_583 = arith.sitofp %convert_element_type3A_582 : vector<256x4096xi32> to vector<256x4096xf32>
      %reduce_sum3A_584 = arith.constant dense<0.000000e+00> : vector<256xf32>
      %reduce_sum3A_585 = vector.multi_reduction <add>, %convert_element_type3A_583, %reduce_sum3A_584 [1] : vector<256x4096xf32> to vector<256xf32>
      %broadcast_in_dim3A_586 = vector.shape_cast %reduce_sum3A_585 : vector<256xf32> to vector<256x1xf32>
      %lt3A_587 = arith.constant 1.600000e+01 : f32
      %lt3A_588 = vector.broadcast %lt3A_587 : f32 to vector<256x1xf32>
      %lt3A_589 = arith.cmpf olt, %select_n3A_573, %lt3A_588 : vector<256x1xf32>
      %select_n3A_590 = arith.select %lt3A_589, %broadcast_in_dim3A_579, %select_n3A_571 : vector<256x1xi1>, vector<256x1xf32>
      %add3A_591 = arith.addf %select_n3A_573, %broadcast_in_dim3A_586 : vector<256x1xf32>
      %select_n3A_592 = arith.select %lt3A_589, %add3A_591, %select_n3A_573 : vector<256x1xi1>, vector<256x1xf32>
      %jit3A_593 = arith.constant -1.000000e+00 : f32
      %broadcast_in_dim3A_594 = vector.broadcast %jit3A_593 : f32 to vector<256x4096xf32>
      %select_n3A_595 = arith.select %eq3A_581, %broadcast_in_dim3A_594, %select_n3A_576 : vector<256x4096xi1>, vector<256x4096xf32>
      %reduce_max3A_596 = arith.constant dense<0xFF800000> : vector<256xf32>
      %reduce_max3A_597 = vector.multi_reduction <maximumf>, %select_n3A_595, %reduce_max3A_596 [1] : vector<256x4096xf32> to vector<256xf32>
      %broadcast_in_dim3A_598 = vector.shape_cast %reduce_max3A_597 : vector<256xf32> to vector<256x1xf32>
      %eq3A_599 = vector.broadcast %broadcast_in_dim3A_598 : vector<256x1xf32> to vector<256x4096xf32>
      %eq3A_600 = arith.cmpf oeq, %select_n3A_595, %eq3A_599 : vector<256x4096xf32>
      %convert_element_type3A_601 = arith.extui %eq3A_600 : vector<256x4096xi1> to vector<256x4096xi32>
      %convert_element_type3A_602 = arith.sitofp %convert_element_type3A_601 : vector<256x4096xi32> to vector<256x4096xf32>
      %reduce_sum3A_603 = arith.constant dense<0.000000e+00> : vector<256xf32>
      %reduce_sum3A_604 = vector.multi_reduction <add>, %convert_element_type3A_602, %reduce_sum3A_603 [1] : vector<256x4096xf32> to vector<256xf32>
      %broadcast_in_dim3A_605 = vector.shape_cast %reduce_sum3A_604 : vector<256xf32> to vector<256x1xf32>
      %lt3A_606 = arith.constant 1.600000e+01 : f32
      %lt3A_607 = vector.broadcast %lt3A_606 : f32 to vector<256x1xf32>
      %lt3A_608 = arith.cmpf olt, %select_n3A_592, %lt3A_607 : vector<256x1xf32>
      %select_n3A_609 = arith.select %lt3A_608, %broadcast_in_dim3A_598, %select_n3A_590 : vector<256x1xi1>, vector<256x1xf32>
      %add3A_610 = arith.addf %select_n3A_592, %broadcast_in_dim3A_605 : vector<256x1xf32>
      %select_n3A_611 = arith.select %lt3A_608, %add3A_610, %select_n3A_592 : vector<256x1xi1>, vector<256x1xf32>
      %jit3A_612 = arith.constant -1.000000e+00 : f32
      %broadcast_in_dim3A_613 = vector.broadcast %jit3A_612 : f32 to vector<256x4096xf32>
      %select_n3A_614 = arith.select %eq3A_600, %broadcast_in_dim3A_613, %select_n3A_595 : vector<256x4096xi1>, vector<256x4096xf32>
      %reduce_max3A_615 = arith.constant dense<0xFF800000> : vector<256xf32>
      %reduce_max3A_616 = vector.multi_reduction <maximumf>, %select_n3A_614, %reduce_max3A_615 [1] : vector<256x4096xf32> to vector<256xf32>
      %broadcast_in_dim3A_617 = vector.shape_cast %reduce_max3A_616 : vector<256xf32> to vector<256x1xf32>
      %eq3A_618 = vector.broadcast %broadcast_in_dim3A_617 : vector<256x1xf32> to vector<256x4096xf32>
      %eq3A_619 = arith.cmpf oeq, %select_n3A_614, %eq3A_618 : vector<256x4096xf32>
      %convert_element_type3A_620 = arith.extui %eq3A_619 : vector<256x4096xi1> to vector<256x4096xi32>
      %convert_element_type3A_621 = arith.sitofp %convert_element_type3A_620 : vector<256x4096xi32> to vector<256x4096xf32>
      %reduce_sum3A_622 = arith.constant dense<0.000000e+00> : vector<256xf32>
      %reduce_sum3A_623 = vector.multi_reduction <add>, %convert_element_type3A_621, %reduce_sum3A_622 [1] : vector<256x4096xf32> to vector<256xf32>
      %broadcast_in_dim3A_624 = vector.shape_cast %reduce_sum3A_623 : vector<256xf32> to vector<256x1xf32>
      %lt3A_625 = arith.constant 1.600000e+01 : f32
      %lt3A_626 = vector.broadcast %lt3A_625 : f32 to vector<256x1xf32>
      %lt3A_627 = arith.cmpf olt, %select_n3A_611, %lt3A_626 : vector<256x1xf32>
      %select_n3A_628 = arith.select %lt3A_627, %broadcast_in_dim3A_617, %select_n3A_609 : vector<256x1xi1>, vector<256x1xf32>
      %add3A_629 = arith.addf %select_n3A_611, %broadcast_in_dim3A_624 : vector<256x1xf32>
      %select_n3A_630 = arith.select %lt3A_627, %add3A_629, %select_n3A_611 : vector<256x1xi1>, vector<256x1xf32>
      %jit3A_631 = arith.constant -1.000000e+00 : f32
      %broadcast_in_dim3A_632 = vector.broadcast %jit3A_631 : f32 to vector<256x4096xf32>
      %select_n3A_633 = arith.select %eq3A_619, %broadcast_in_dim3A_632, %select_n3A_614 : vector<256x4096xi1>, vector<256x4096xf32>
      %reduce_max3A_634 = arith.constant dense<0xFF800000> : vector<256xf32>
      %reduce_max3A_635 = vector.multi_reduction <maximumf>, %select_n3A_633, %reduce_max3A_634 [1] : vector<256x4096xf32> to vector<256xf32>
      %broadcast_in_dim3A_636 = vector.shape_cast %reduce_max3A_635 : vector<256xf32> to vector<256x1xf32>
      %eq3A_637 = vector.broadcast %broadcast_in_dim3A_636 : vector<256x1xf32> to vector<256x4096xf32>
      %eq3A_638 = arith.cmpf oeq, %select_n3A_633, %eq3A_637 : vector<256x4096xf32>
      %convert_element_type3A_639 = arith.extui %eq3A_638 : vector<256x4096xi1> to vector<256x4096xi32>
      %convert_element_type3A_640 = arith.sitofp %convert_element_type3A_639 : vector<256x4096xi32> to vector<256x4096xf32>
      %reduce_sum3A_641 = arith.constant dense<0.000000e+00> : vector<256xf32>
      %reduce_sum3A_642 = vector.multi_reduction <add>, %convert_element_type3A_640, %reduce_sum3A_641 [1] : vector<256x4096xf32> to vector<256xf32>
      %broadcast_in_dim3A_643 = vector.shape_cast %reduce_sum3A_642 : vector<256xf32> to vector<256x1xf32>
      %lt3A_644 = arith.constant 1.600000e+01 : f32
      %lt3A_645 = vector.broadcast %lt3A_644 : f32 to vector<256x1xf32>
      %lt3A_646 = arith.cmpf olt, %select_n3A_630, %lt3A_645 : vector<256x1xf32>
      %select_n3A_647 = arith.select %lt3A_646, %broadcast_in_dim3A_636, %select_n3A_628 : vector<256x1xi1>, vector<256x1xf32>
      %add3A_648 = arith.addf %select_n3A_630, %broadcast_in_dim3A_643 : vector<256x1xf32>
      %select_n3A_649 = arith.select %lt3A_646, %add3A_648, %select_n3A_630 : vector<256x1xi1>, vector<256x1xf32>
      %jit3A_650 = arith.constant -1.000000e+00 : f32
      %broadcast_in_dim3A_651 = vector.broadcast %jit3A_650 : f32 to vector<256x4096xf32>
      %select_n3A_652 = arith.select %eq3A_638, %broadcast_in_dim3A_651, %select_n3A_633 : vector<256x4096xi1>, vector<256x4096xf32>
      %reduce_max3A_653 = arith.constant dense<0xFF800000> : vector<256xf32>
      %reduce_max3A_654 = vector.multi_reduction <maximumf>, %select_n3A_652, %reduce_max3A_653 [1] : vector<256x4096xf32> to vector<256xf32>
      %broadcast_in_dim3A_655 = vector.shape_cast %reduce_max3A_654 : vector<256xf32> to vector<256x1xf32>
      %eq3A_656 = vector.broadcast %broadcast_in_dim3A_655 : vector<256x1xf32> to vector<256x4096xf32>
      %eq3A_657 = arith.cmpf oeq, %select_n3A_652, %eq3A_656 : vector<256x4096xf32>
      %convert_element_type3A_658 = arith.extui %eq3A_657 : vector<256x4096xi1> to vector<256x4096xi32>
      %convert_element_type3A_659 = arith.sitofp %convert_element_type3A_658 : vector<256x4096xi32> to vector<256x4096xf32>
      %reduce_sum3A_660 = arith.constant dense<0.000000e+00> : vector<256xf32>
      %reduce_sum3A_661 = vector.multi_reduction <add>, %convert_element_type3A_659, %reduce_sum3A_660 [1] : vector<256x4096xf32> to vector<256xf32>
      %broadcast_in_dim3A_662 = vector.shape_cast %reduce_sum3A_661 : vector<256xf32> to vector<256x1xf32>
      %lt3A_663 = arith.constant 1.600000e+01 : f32
      %lt3A_664 = vector.broadcast %lt3A_663 : f32 to vector<256x1xf32>
      %lt3A_665 = arith.cmpf olt, %select_n3A_649, %lt3A_664 : vector<256x1xf32>
      %select_n3A_666 = arith.select %lt3A_665, %broadcast_in_dim3A_655, %select_n3A_647 : vector<256x1xi1>, vector<256x1xf32>
      %add3A_667 = arith.addf %select_n3A_649, %broadcast_in_dim3A_662 : vector<256x1xf32>
      %select_n3A_668 = arith.select %lt3A_665, %add3A_667, %select_n3A_649 : vector<256x1xi1>, vector<256x1xf32>
      %jit3A_669 = arith.constant -1.000000e+00 : f32
      %broadcast_in_dim3A_670 = vector.broadcast %jit3A_669 : f32 to vector<256x4096xf32>
      %select_n3A_671 = arith.select %eq3A_657, %broadcast_in_dim3A_670, %select_n3A_652 : vector<256x4096xi1>, vector<256x4096xf32>
      %reduce_max3A_672 = arith.constant dense<0xFF800000> : vector<256xf32>
      %reduce_max3A_673 = vector.multi_reduction <maximumf>, %select_n3A_671, %reduce_max3A_672 [1] : vector<256x4096xf32> to vector<256xf32>
      %broadcast_in_dim3A_674 = vector.shape_cast %reduce_max3A_673 : vector<256xf32> to vector<256x1xf32>
      %eq3A_675 = vector.broadcast %broadcast_in_dim3A_674 : vector<256x1xf32> to vector<256x4096xf32>
      %eq3A_676 = arith.cmpf oeq, %select_n3A_671, %eq3A_675 : vector<256x4096xf32>
      %convert_element_type3A_677 = arith.extui %eq3A_676 : vector<256x4096xi1> to vector<256x4096xi32>
      %convert_element_type3A_678 = arith.sitofp %convert_element_type3A_677 : vector<256x4096xi32> to vector<256x4096xf32>
      %reduce_sum3A_679 = arith.constant dense<0.000000e+00> : vector<256xf32>
      %reduce_sum3A_680 = vector.multi_reduction <add>, %convert_element_type3A_678, %reduce_sum3A_679 [1] : vector<256x4096xf32> to vector<256xf32>
      %broadcast_in_dim3A_681 = vector.shape_cast %reduce_sum3A_680 : vector<256xf32> to vector<256x1xf32>
      %lt3A_682 = arith.constant 1.600000e+01 : f32
      %lt3A_683 = vector.broadcast %lt3A_682 : f32 to vector<256x1xf32>
      %lt3A_684 = arith.cmpf olt, %select_n3A_668, %lt3A_683 : vector<256x1xf32>
      %select_n3A_685 = arith.select %lt3A_684, %broadcast_in_dim3A_674, %select_n3A_666 : vector<256x1xi1>, vector<256x1xf32>
      %add3A_686 = arith.addf %select_n3A_668, %broadcast_in_dim3A_681 : vector<256x1xf32>
      %select_n3A_687 = arith.select %lt3A_684, %add3A_686, %select_n3A_668 : vector<256x1xi1>, vector<256x1xf32>
      %jit3A_688 = arith.constant -1.000000e+00 : f32
      %broadcast_in_dim3A_689 = vector.broadcast %jit3A_688 : f32 to vector<256x4096xf32>
      %select_n3A_690 = arith.select %eq3A_676, %broadcast_in_dim3A_689, %select_n3A_671 : vector<256x4096xi1>, vector<256x4096xf32>
      %reduce_max3A_691 = arith.constant dense<0xFF800000> : vector<256xf32>
      %reduce_max3A_692 = vector.multi_reduction <maximumf>, %select_n3A_690, %reduce_max3A_691 [1] : vector<256x4096xf32> to vector<256xf32>
      %broadcast_in_dim3A_693 = vector.shape_cast %reduce_max3A_692 : vector<256xf32> to vector<256x1xf32>
      %lt3A_694 = arith.constant 1.600000e+01 : f32
      %lt3A_695 = vector.broadcast %lt3A_694 : f32 to vector<256x1xf32>
      %lt3A_696 = arith.cmpf olt, %select_n3A_687, %lt3A_695 : vector<256x1xf32>
      %select_n3A_697 = arith.select %lt3A_696, %broadcast_in_dim3A_693, %select_n3A_685 : vector<256x1xi1>, vector<256x1xf32>
      %swap3A_698 = arith.constant 0 : index
      %swap3A_699 = arith.constant 0 : index
      %swap3A_700 = vector.load %arg4[%swap3A_698, %swap3A_699] : memref<256x1xf32, #tpu.memory_space<vmem>>, vector<256x1xf32>
      tpu.vector_store %arg4[%swap3A_698, %swap3A_699], %select_n3A_697 {strides = array<i32>} : memref<256x1xf32, #tpu.memory_space<vmem>>, vector<256x1xf32>,
    } else {
    }
    %get3A_161 = arith.constant 0 : index
    %get3A_162 = arith.constant 0 : index
    %get3A_163 = vector.load %arg4[%get3A_161, %get3A_162] : memref<256x1xf32, #tpu.memory_space<vmem>>, vector<256x1xf32>
    %gt3A_164 = vector.broadcast %get3A_163 : vector<256x1xf32> to vector<256x4096xf32>
    %gt3A_165 = arith.cmpf ogt, %max3A_21, %gt3A_164 : vector<256x4096xf32>
    %convert_element_type3A_166 = arith.extui %gt3A_165 : vector<256x4096xi1> to vector<256x4096xi32>
    %convert_element_type3A_167 = arith.sitofp %convert_element_type3A_166 : vector<256x4096xi32> to vector<256x4096xf32>
    %reduce_sum3A_168 = arith.constant dense<0.000000e+00> : vector<256xf32>
    %reduce_sum3A_169 = vector.multi_reduction <add>, %convert_element_type3A_167, %reduce_sum3A_168 [1] : vector<256x4096xf32> to vector<256xf32>
    %broadcast_in_dim3A_170 = vector.shape_cast %reduce_sum3A_169 : vector<256xf32> to vector<256x1xf32>
    %eq3A = vector.broadcast %get3A_163 : vector<256x1xf32> to vector<256x4096xf32>
    %eq3A_171 = arith.cmpf oeq, %max3A_21, %eq3A : vector<256x4096xf32>
    %convert_element_type3A_172 = arith.extui %eq3A_171 : vector<256x4096xi1> to vector<256x4096xi32>
    %convert_element_type3A_173 = arith.sitofp %convert_element_type3A_172 : vector<256x4096xi32> to vector<256x4096xf32>
    %iota3A = tpu.iota {dimensions = array<i32: 1>} : vector<1x4096xi32>
    %jit3A_174 = arith.constant 128 : i32
    %eq3A_175 = arith.constant 0 : i32
    %eq3A_176 = arith.cmpi eq, %jit3A_174, %eq3A_175 : i32
    %jit3A_177 = arith.constant 1 : i32
    %select_n3A_178 = arith.select %eq3A_176, %jit3A_177, %jit3A_174 : i32
    %rem3A = vector.broadcast %select_n3A_178 : i32 to vector<1x4096xi32>
    %rem3A_179 = arith.remsi %iota3A, %rem3A : vector<1x4096xi32>
    %ne3A = arith.constant 0 : i32
    %ne3A_180 = vector.broadcast %ne3A : i32 to vector<1x4096xi32>
    %ne3A_181 = arith.cmpi ne, %rem3A_179, %ne3A_180 : vector<1x4096xi32>
    %lt3A = arith.constant 0 : i32
    %lt3A_182 = vector.broadcast %lt3A : i32 to vector<1x4096xi32>
    %lt3A_183 = arith.cmpi slt, %rem3A_179, %lt3A_182 : vector<1x4096xi32>
    %lt3A_184 = arith.constant 0 : i32
    %lt3A_185 = arith.cmpi slt, %select_n3A_178, %lt3A_184 : i32
    %ne3A_186 = vector.broadcast %lt3A_185 : i1 to vector<1x4096xi1>
    %ne3A_187 = vector.broadcast %ne3A_186 : vector<1x4096xi1> to vector<1x4096xi1>
    %ne3A_188 = arith.xori %lt3A_183, %ne3A_187 : vector<1x4096xi1>
    %and3A = arith.andi %ne3A_188, %ne3A_181 : vector<1x4096xi1>
    %add3A = vector.broadcast %select_n3A_178 : i32 to vector<1x4096xi32>
    %add3A_189 = arith.addi %rem3A_179, %add3A : vector<1x4096xi32>
    %select_n3A_190 = arith.select %and3A, %add3A_189, %rem3A_179 : vector<1x4096xi1>, vector<1x4096xi32>
    %convert_element_type3A_191 = arith.extui %eq3A_171 : vector<256x4096xi1> to vector<256x4096xi16>
    %broadcast_in_dim3A_192 = arith.constant 0 : i16
    %broadcast_in_dim3A_193 = vector.broadcast %broadcast_in_dim3A_192 : i16 to vector<256x1xi16>
    %ge3A_194 = arith.constant 1 : i32
    %ge3A_195 = vector.broadcast %ge3A_194 : i32 to vector<1x4096xi32>
    %ge3A_196 = arith.cmpi sge, %select_n3A_190, %ge3A_195 : vector<1x4096xi32>
    %slice3A = vector.extract_strided_slice %convert_element_type3A_191 {offsets = [0, 0], sizes = [256, 4095], strides = [1, 1]} : vector<256x4096xi16> to vector<256x4095xi16>
    %concatenate3A = tpu.concatenate %broadcast_in_dim3A_193, %slice3A in 1 : vector<256x1xi16>, vector<256x4095xi16> -> vector<256x4096xi16>
    %jit3A_197 = arith.constant 0 : i32
    %convert_element_type3A_198 = arith.trunci %jit3A_197 : i32 to i16
    %broadcast_in_dim3A_199 = vector.shape_cast %ge3A_196 : vector<1x4096xi1> to vector<1x4096xi1>
    %broadcast_in_dim3A_200 = vector.broadcast %broadcast_in_dim3A_199 : vector<1x4096xi1> to vector<256x4096xi1>
    %broadcast_in_dim3A_201 = vector.broadcast %convert_element_type3A_198 : i16 to vector<256x4096xi16>
    %select_n3A_202 = arith.select %broadcast_in_dim3A_200, %concatenate3A, %broadcast_in_dim3A_201 : vector<256x4096xi1>, vector<256x4096xi16>
    %broadcast_in_dim3A_203 = arith.constant 0 : i16
    %broadcast_in_dim3A_204 = vector.broadcast %broadcast_in_dim3A_203 : i16 to vector<256x1xi16>
    %slice3A_205 = vector.extract_strided_slice %select_n3A_202 {offsets = [0, 0], sizes = [256, 4095], strides = [1, 1]} : vector<256x4096xi16> to vector<256x4095xi16>
    %concatenate3A_206 = tpu.concatenate %broadcast_in_dim3A_204, %slice3A_205 in 1 : vector<256x1xi16>, vector<256x4095xi16> -> vector<256x4096xi16>
    %ge3A_207 = arith.constant 1 : i32
    %ge3A_208 = vector.broadcast %ge3A_207 : i32 to vector<1x4096xi32>
    %ge3A_209 = arith.cmpi sge, %select_n3A_190, %ge3A_208 : vector<1x4096xi32>
    %jit3A_210 = arith.constant 0 : i32
    %convert_element_type3A_211 = arith.trunci %jit3A_210 : i32 to i16
    %broadcast_in_dim3A_212 = vector.shape_cast %ge3A_209 : vector<1x4096xi1> to vector<1x4096xi1>
    %broadcast_in_dim3A_213 = vector.broadcast %broadcast_in_dim3A_212 : vector<1x4096xi1> to vector<256x4096xi1>
    %broadcast_in_dim3A_214 = vector.broadcast %convert_element_type3A_211 : i16 to vector<256x4096xi16>
    %select_n3A_215 = arith.select %broadcast_in_dim3A_213, %concatenate3A_206, %broadcast_in_dim3A_214 : vector<256x4096xi1>, vector<256x4096xi16>
    %add3A_216 = arith.addi %select_n3A_202, %select_n3A_215 : vector<256x4096xi16>
    %broadcast_in_dim3A_217 = arith.constant 0 : i16
    %broadcast_in_dim3A_218 = vector.broadcast %broadcast_in_dim3A_217 : i16 to vector<256x2xi16>
    %slice3A_219 = vector.extract_strided_slice %add3A_216 {offsets = [0, 0], sizes = [256, 4094], strides = [1, 1]} : vector<256x4096xi16> to vector<256x4094xi16>
    %concatenate3A_220 = tpu.concatenate %broadcast_in_dim3A_218, %slice3A_219 in 1 : vector<256x2xi16>, vector<256x4094xi16> -> vector<256x4096xi16>
    %ge3A_221 = arith.constant 2 : i32
    %ge3A_222 = vector.broadcast %ge3A_221 : i32 to vector<1x4096xi32>
    %ge3A_223 = arith.cmpi sge, %select_n3A_190, %ge3A_222 : vector<1x4096xi32>
    %jit3A_224 = arith.constant 0 : i32
    %convert_element_type3A_225 = arith.trunci %jit3A_224 : i32 to i16
    %broadcast_in_dim3A_226 = vector.shape_cast %ge3A_223 : vector<1x4096xi1> to vector<1x4096xi1>
    %broadcast_in_dim3A_227 = vector.broadcast %broadcast_in_dim3A_226 : vector<1x4096xi1> to vector<256x4096xi1>
    %broadcast_in_dim3A_228 = vector.broadcast %convert_element_type3A_225 : i16 to vector<256x4096xi16>
    %select_n3A_229 = arith.select %broadcast_in_dim3A_227, %concatenate3A_220, %broadcast_in_dim3A_228 : vector<256x4096xi1>, vector<256x4096xi16>
    %add3A_230 = arith.addi %add3A_216, %select_n3A_229 : vector<256x4096xi16>
    %broadcast_in_dim3A_231 = arith.constant 0 : i16
    %broadcast_in_dim3A_232 = vector.broadcast %broadcast_in_dim3A_231 : i16 to vector<256x4xi16>
    %slice3A_233 = vector.extract_strided_slice %add3A_230 {offsets = [0, 0], sizes = [256, 4092], strides = [1, 1]} : vector<256x4096xi16> to vector<256x4092xi16>
    %concatenate3A_234 = tpu.concatenate %broadcast_in_dim3A_232, %slice3A_233 in 1 : vector<256x4xi16>, vector<256x4092xi16> -> vector<256x4096xi16>
    %ge3A_235 = arith.constant 4 : i32
    %ge3A_236 = vector.broadcast %ge3A_235 : i32 to vector<1x4096xi32>
    %ge3A_237 = arith.cmpi sge, %select_n3A_190, %ge3A_236 : vector<1x4096xi32>
    %jit3A_238 = arith.constant 0 : i32
    %convert_element_type3A_239 = arith.trunci %jit3A_238 : i32 to i16
    %broadcast_in_dim3A_240 = vector.shape_cast %ge3A_237 : vector<1x4096xi1> to vector<1x4096xi1>
    %broadcast_in_dim3A_241 = vector.broadcast %broadcast_in_dim3A_240 : vector<1x4096xi1> to vector<256x4096xi1>
    %broadcast_in_dim3A_242 = vector.broadcast %convert_element_type3A_239 : i16 to vector<256x4096xi16>
    %select_n3A_243 = arith.select %broadcast_in_dim3A_241, %concatenate3A_234, %broadcast_in_dim3A_242 : vector<256x4096xi1>, vector<256x4096xi16>
    %add3A_244 = arith.addi %add3A_230, %select_n3A_243 : vector<256x4096xi16>
    %broadcast_in_dim3A_245 = arith.constant 0 : i16
    %broadcast_in_dim3A_246 = vector.broadcast %broadcast_in_dim3A_245 : i16 to vector<256x8xi16>
    %slice3A_247 = vector.extract_strided_slice %add3A_244 {offsets = [0, 0], sizes = [256, 4088], strides = [1, 1]} : vector<256x4096xi16> to vector<256x4088xi16>
    %concatenate3A_248 = tpu.concatenate %broadcast_in_dim3A_246, %slice3A_247 in 1 : vector<256x8xi16>, vector<256x4088xi16> -> vector<256x4096xi16>
    %ge3A_249 = arith.constant 8 : i32
    %ge3A_250 = vector.broadcast %ge3A_249 : i32 to vector<1x4096xi32>
    %ge3A_251 = arith.cmpi sge, %select_n3A_190, %ge3A_250 : vector<1x4096xi32>
    %jit3A_252 = arith.constant 0 : i32
    %convert_element_type3A_253 = arith.trunci %jit3A_252 : i32 to i16
    %broadcast_in_dim3A_254 = vector.shape_cast %ge3A_251 : vector<1x4096xi1> to vector<1x4096xi1>
    %broadcast_in_dim3A_255 = vector.broadcast %broadcast_in_dim3A_254 : vector<1x4096xi1> to vector<256x4096xi1>
    %broadcast_in_dim3A_256 = vector.broadcast %convert_element_type3A_253 : i16 to vector<256x4096xi16>
    %select_n3A_257 = arith.select %broadcast_in_dim3A_255, %concatenate3A_248, %broadcast_in_dim3A_256 : vector<256x4096xi1>, vector<256x4096xi16>
    %add3A_258 = arith.addi %add3A_244, %select_n3A_257 : vector<256x4096xi16>
    %broadcast_in_dim3A_259 = arith.constant 0 : i16
    %broadcast_in_dim3A_260 = vector.broadcast %broadcast_in_dim3A_259 : i16 to vector<256x16xi16>
    %slice3A_261 = vector.extract_strided_slice %add3A_258 {offsets = [0, 0], sizes = [256, 4080], strides = [1, 1]} : vector<256x4096xi16> to vector<256x4080xi16>
    %concatenate3A_262 = tpu.concatenate %broadcast_in_dim3A_260, %slice3A_261 in 1 : vector<256x16xi16>, vector<256x4080xi16> -> vector<256x4096xi16>
    %ge3A_263 = arith.constant 16 : i32
    %ge3A_264 = vector.broadcast %ge3A_263 : i32 to vector<1x4096xi32>
    %ge3A_265 = arith.cmpi sge, %select_n3A_190, %ge3A_264 : vector<1x4096xi32>
    %jit3A_266 = arith.constant 0 : i32
    %convert_element_type3A_267 = arith.trunci %jit3A_266 : i32 to i16
    %broadcast_in_dim3A_268 = vector.shape_cast %ge3A_265 : vector<1x4096xi1> to vector<1x4096xi1>
    %broadcast_in_dim3A_269 = vector.broadcast %broadcast_in_dim3A_268 : vector<1x4096xi1> to vector<256x4096xi1>
    %broadcast_in_dim3A_270 = vector.broadcast %convert_element_type3A_267 : i16 to vector<256x4096xi16>
    %select_n3A_271 = arith.select %broadcast_in_dim3A_269, %concatenate3A_262, %broadcast_in_dim3A_270 : vector<256x4096xi1>, vector<256x4096xi16>
    %add3A_272 = arith.addi %add3A_258, %select_n3A_271 : vector<256x4096xi16>
    %broadcast_in_dim3A_273 = arith.constant 0 : i16
    %broadcast_in_dim3A_274 = vector.broadcast %broadcast_in_dim3A_273 : i16 to vector<256x32xi16>
    %slice3A_275 = vector.extract_strided_slice %add3A_272 {offsets = [0, 0], sizes = [256, 4064], strides = [1, 1]} : vector<256x4096xi16> to vector<256x4064xi16>
    %concatenate3A_276 = tpu.concatenate %broadcast_in_dim3A_274, %slice3A_275 in 1 : vector<256x32xi16>, vector<256x4064xi16> -> vector<256x4096xi16>
    %ge3A_277 = arith.constant 32 : i32
    %ge3A_278 = vector.broadcast %ge3A_277 : i32 to vector<1x4096xi32>
    %ge3A_279 = arith.cmpi sge, %select_n3A_190, %ge3A_278 : vector<1x4096xi32>
    %jit3A_280 = arith.constant 0 : i32
    %convert_element_type3A_281 = arith.trunci %jit3A_280 : i32 to i16
    %broadcast_in_dim3A_282 = vector.shape_cast %ge3A_279 : vector<1x4096xi1> to vector<1x4096xi1>
    %broadcast_in_dim3A_283 = vector.broadcast %broadcast_in_dim3A_282 : vector<1x4096xi1> to vector<256x4096xi1>
    %broadcast_in_dim3A_284 = vector.broadcast %convert_element_type3A_281 : i16 to vector<256x4096xi16>
    %select_n3A_285 = arith.select %broadcast_in_dim3A_283, %concatenate3A_276, %broadcast_in_dim3A_284 : vector<256x4096xi1>, vector<256x4096xi16>
    %add3A_286 = arith.addi %add3A_272, %select_n3A_285 : vector<256x4096xi16>
    %broadcast_in_dim3A_287 = arith.constant 0 : i16
    %broadcast_in_dim3A_288 = vector.broadcast %broadcast_in_dim3A_287 : i16 to vector<256x64xi16>
    %slice3A_289 = vector.extract_strided_slice %add3A_286 {offsets = [0, 0], sizes = [256, 4032], strides = [1, 1]} : vector<256x4096xi16> to vector<256x4032xi16>
    %concatenate3A_290 = tpu.concatenate %broadcast_in_dim3A_288, %slice3A_289 in 1 : vector<256x64xi16>, vector<256x4032xi16> -> vector<256x4096xi16>
    %ge3A_291 = arith.constant 64 : i32
    %ge3A_292 = vector.broadcast %ge3A_291 : i32 to vector<1x4096xi32>
    %ge3A_293 = arith.cmpi sge, %select_n3A_190, %ge3A_292 : vector<1x4096xi32>
    %jit3A_294 = arith.constant 0 : i32
    %convert_element_type3A_295 = arith.trunci %jit3A_294 : i32 to i16
    %broadcast_in_dim3A_296 = vector.shape_cast %ge3A_293 : vector<1x4096xi1> to vector<1x4096xi1>
    %broadcast_in_dim3A_297 = vector.broadcast %broadcast_in_dim3A_296 : vector<1x4096xi1> to vector<256x4096xi1>
    %broadcast_in_dim3A_298 = vector.broadcast %convert_element_type3A_295 : i16 to vector<256x4096xi16>
    %select_n3A_299 = arith.select %broadcast_in_dim3A_297, %concatenate3A_290, %broadcast_in_dim3A_298 : vector<256x4096xi1>, vector<256x4096xi16>
    %add3A_300 = arith.addi %add3A_286, %select_n3A_299 : vector<256x4096xi16>
    %iota3A_301 = tpu.iota {dimensions = array<i32: 0>} : vector<4096x32xi32>
    %iota3A_302 = tpu.iota {dimensions = array<i32: 1>} : vector<4096x32xi32>
    %jit3A_303 = arith.constant 128 : i32
    %div3A = vector.broadcast %jit3A_303 : i32 to vector<4096x32xi32>
    %div3A_304 = arith.divsi %iota3A_301, %div3A : vector<4096x32xi32>
    %sign3A = arith.constant 0 : i32
    %sign3A_305 = vector.broadcast %sign3A : i32 to vector<4096x32xi32>
    %sign3A_306 = arith.cmpi sgt, %iota3A_301, %sign3A_305 : vector<4096x32xi32>
    %sign3A_307 = arith.extui %sign3A_306 : vector<4096x32xi1> to vector<4096x32xi32>
    %sign3A_308 = arith.constant 0 : i32
    %sign3A_309 = vector.broadcast %sign3A_308 : i32 to vector<4096x32xi32>
    %sign3A_310 = arith.cmpi slt, %iota3A_301, %sign3A_309 : vector<4096x32xi32>
    %sign3A_311 = arith.extui %sign3A_310 : vector<4096x32xi1> to vector<4096x32xi32>
    %sign3A_312 = arith.subi %sign3A_307, %sign3A_311 : vector<4096x32xi32>
    %sign3A_313 = arith.constant 0 : i32
    %sign3A_314 = arith.cmpi sgt, %jit3A_303, %sign3A_313 : i32
    %sign3A_315 = arith.extui %sign3A_314 : i1 to i32
    %sign3A_316 = arith.constant 0 : i32
    %sign3A_317 = arith.cmpi slt, %jit3A_303, %sign3A_316 : i32
    %sign3A_318 = arith.extui %sign3A_317 : i1 to i32
    %sign3A_319 = arith.subi %sign3A_315, %sign3A_318 : i32
    %ne3A_320 = vector.broadcast %sign3A_319 : i32 to vector<4096x32xi32>
    %ne3A_321 = arith.cmpi ne, %sign3A_312, %ne3A_320 : vector<4096x32xi32>
    %rem3A_322 = vector.broadcast %jit3A_303 : i32 to vector<4096x32xi32>
    %rem3A_323 = arith.remsi %iota3A_301, %rem3A_322 : vector<4096x32xi32>
    %ne3A_324 = arith.constant 0 : i32
    %ne3A_325 = vector.broadcast %ne3A_324 : i32 to vector<4096x32xi32>
    %ne3A_326 = arith.cmpi ne, %rem3A_323, %ne3A_325 : vector<4096x32xi32>
    %and3A_327 = arith.andi %ne3A_321, %ne3A_326 : vector<4096x32xi1>
    %sub3A_328 = arith.constant 1 : i32
    %sub3A_329 = vector.broadcast %sub3A_328 : i32 to vector<4096x32xi32>
    %sub3A_330 = arith.subi %div3A_304, %sub3A_329 : vector<4096x32xi32>
    %select_n3A_331 = arith.select %and3A_327, %sub3A_330, %div3A_304 : vector<4096x32xi1>, vector<4096x32xi32>
    %eq3A_332 = arith.cmpi eq, %select_n3A_331, %iota3A_302 : vector<4096x32xi32>
    %convert_element_type3A_333 = arith.extui %eq3A_332 : vector<4096x32xi1> to vector<4096x32xi32>
    %convert_element_type3A_334 = arith.sitofp %convert_element_type3A_333 : vector<4096x32xi32> to vector<4096x32xf32>
    %dot_general3A_335 = arith.constant dense<0.000000e+00> : vector<256x32xf32>
    %dot_general3A_336 = tpu.matmul %convert_element_type3A_173, %convert_element_type3A_334, %dot_general3A_335 {dimension_numbers = #tpu.dot_dimension_numbers<[1], [0], [0], [1], [0, 0, 1, 1], [], []>, transpose_lhs_hint = false} : vector<256x4096xf32>, vector<4096x32xf32>, vector<256x32xf32> -> vector<256x32xf32>
    %iota3A_337 = tpu.iota {dimensions = array<i32: 0>} : vector<32x4096xi32>
    %iota3A_338 = tpu.iota {dimensions = array<i32: 1>} : vector<32x4096xi32>
    %lt3A_339 = arith.cmpi slt, %iota3A_337, %iota3A_338 : vector<32x4096xi32>
    %convert_element_type3A_340 = arith.extui %lt3A_339 : vector<32x4096xi1> to vector<32x4096xi32>
    %convert_element_type3A_341 = arith.sitofp %convert_element_type3A_340 : vector<32x4096xi32> to vector<32x4096xf32>
    %slice3A_342 = vector.extract_strided_slice %convert_element_type3A_341 {offsets = [0, 0], sizes = [32, 32], strides = [1, 1]} : vector<32x4096xf32> to vector<32x32xf32>
    %dot_general3A_343 = arith.constant dense<0.000000e+00> : vector<256x32xf32>
    %dot_general3A_344 = tpu.matmul %dot_general3A_336, %slice3A_342, %dot_general3A_343 {dimension_numbers = #tpu.dot_dimension_numbers<[1], [0], [0], [1], [0, 0, 1, 1], [], []>, transpose_lhs_hint = false} : vector<256x32xf32>, vector<32x32xf32>, vector<256x32xf32> -> vector<256x32xf32>
    %sub3A_345 = arith.constant 1.600000e+01 : f32
    %sub3A_346 = vector.broadcast %sub3A_345 : f32 to vector<256x1xf32>
    %sub3A_347 = arith.subf %sub3A_346, %broadcast_in_dim3A_170 : vector<256x1xf32>
    %sub3A_348 = vector.broadcast %sub3A_347 : vector<256x1xf32> to vector<256x32xf32>
    %sub3A_349 = arith.subf %sub3A_348, %dot_general3A_344 : vector<256x32xf32>
    %jit3A_350 = arith.constant -1.000000e+00 : f32
    %jit3A_351 = arith.constant 1.270000e+02 : f32
    %max3A_352 = vector.broadcast %jit3A_350 : f32 to vector<256x32xf32>
    %max3A_353 = arith.maximumf %max3A_352, %sub3A_349 : vector<256x32xf32>
    %min3A = vector.broadcast %jit3A_351 : f32 to vector<256x32xf32>
    %min3A_354 = arith.minimumf %min3A, %max3A_353 : vector<256x32xf32>
    %iota3A_355 = tpu.iota {dimensions = array<i32: 0>} : vector<32x4096xi32>
    %iota3A_356 = tpu.iota {dimensions = array<i32: 1>} : vector<32x4096xi32>
    %jit3A_357 = arith.constant 128 : i32
    %div3A_358 = vector.broadcast %jit3A_357 : i32 to vector<32x4096xi32>
    %div3A_359 = arith.divsi %iota3A_356, %div3A_358 : vector<32x4096xi32>
    %sign3A_360 = arith.constant 0 : i32
    %sign3A_361 = vector.broadcast %sign3A_360 : i32 to vector<32x4096xi32>
    %sign3A_362 = arith.cmpi sgt, %iota3A_356, %sign3A_361 : vector<32x4096xi32>
    %sign3A_363 = arith.extui %sign3A_362 : vector<32x4096xi1> to vector<32x4096xi32>
    %sign3A_364 = arith.constant 0 : i32
    %sign3A_365 = vector.broadcast %sign3A_364 : i32 to vector<32x4096xi32>
    %sign3A_366 = arith.cmpi slt, %iota3A_356, %sign3A_365 : vector<32x4096xi32>
    %sign3A_367 = arith.extui %sign3A_366 : vector<32x4096xi1> to vector<32x4096xi32>
    %sign3A_368 = arith.subi %sign3A_363, %sign3A_367 : vector<32x4096xi32>
    %sign3A_369 = arith.constant 0 : i32
    %sign3A_370 = arith.cmpi sgt, %jit3A_357, %sign3A_369 : i32
    %sign3A_371 = arith.extui %sign3A_370 : i1 to i32
    %sign3A_372 = arith.constant 0 : i32
    %sign3A_373 = arith.cmpi slt, %jit3A_357, %sign3A_372 : i32
    %sign3A_374 = arith.extui %sign3A_373 : i1 to i32
    %sign3A_375 = arith.subi %sign3A_371, %sign3A_374 : i32
    %ne3A_376 = vector.broadcast %sign3A_375 : i32 to vector<32x4096xi32>
    %ne3A_377 = arith.cmpi ne, %sign3A_368, %ne3A_376 : vector<32x4096xi32>
    %rem3A_378 = vector.broadcast %jit3A_357 : i32 to vector<32x4096xi32>
    %rem3A_379 = arith.remsi %iota3A_356, %rem3A_378 : vector<32x4096xi32>
    %ne3A_380 = arith.constant 0 : i32
    %ne3A_381 = vector.broadcast %ne3A_380 : i32 to vector<32x4096xi32>
    %ne3A_382 = arith.cmpi ne, %rem3A_379, %ne3A_381 : vector<32x4096xi32>
    %and3A_383 = arith.andi %ne3A_377, %ne3A_382 : vector<32x4096xi1>
    %sub3A_384 = arith.constant 1 : i32
    %sub3A_385 = vector.broadcast %sub3A_384 : i32 to vector<32x4096xi32>
    %sub3A_386 = arith.subi %div3A_359, %sub3A_385 : vector<32x4096xi32>
    %select_n3A_387 = arith.select %and3A_383, %sub3A_386, %div3A_359 : vector<32x4096xi1>, vector<32x4096xi32>
    %eq3A_388 = arith.cmpi eq, %iota3A_355, %select_n3A_387 : vector<32x4096xi32>
    %convert_element_type3A_389 = arith.extui %eq3A_388 : vector<32x4096xi1> to vector<32x4096xi32>
    %convert_element_type3A_390 = arith.sitofp %convert_element_type3A_389 : vector<32x4096xi32> to vector<32x4096xf32>
    %dot_general3A_391 = arith.constant dense<0.000000e+00> : vector<256x4096xf32>
    %dot_general3A_392 = tpu.matmul %min3A_354, %convert_element_type3A_390, %dot_general3A_391 {dimension_numbers = #tpu.dot_dimension_numbers<[1], [0], [0], [1], [0, 0, 1, 1], [], []>, transpose_lhs_hint = false} : vector<256x32xf32>, vector<32x4096xf32>, vector<256x4096xf32> -> vector<256x4096xf32>
    %convert_element_type3A_393 = arith.fptosi %dot_general3A_392 : vector<256x4096xf32> to vector<256x4096xi16>
    %lt3A_394 = arith.cmpi slt, %add3A_300, %convert_element_type3A_393 : vector<256x4096xi16>
    %and3A_395 = arith.andi %eq3A_171, %lt3A_394 : vector<256x4096xi1>
    %or3A = arith.ori %gt3A_165, %and3A_395 : vector<256x4096xi1>
    %jit3A_396 = arith.constant 0.000000e+00 : f32
    %broadcast_in_dim3A_397 = vector.broadcast %jit3A_396 : f32 to vector<256x4096xf32>
    %select_n3A_398 = arith.select %or3A, %max3A_21, %broadcast_in_dim3A_397 : vector<256x4096xi1>, vector<256x4096xf32>
    %swap3A_399 = arith.constant 0 : index
    %swap3A_400 = arith.constant 0 : index
    %swap3A_401 = vector.load %arg3[%swap3A_399, %swap3A_400] : memref<256x4096xf32, #tpu.memory_space<vmem>>, vector<256x4096xf32>
    tpu.vector_store %arg3[%swap3A_399, %swap3A_400], %select_n3A_398 {strides = array<i32>} : memref<256x4096xf32, #tpu.memory_space<vmem>>, vector<256x4096xf32>,
    return
  }
  func.func @transform_0(%arg0: i32) -> (i32, i32) {
    %c0_i32 = arith.constant 0 : i32
    %c0_i32_0 = arith.constant 0 : i32
    %c0_i32_1 = arith.constant 0 : i32
    return %c0_i32, %c0_i32_0 : i32, i32
  }
  func.func @transform_1(%arg0: i32) -> (i32, i32) {
    %c0_i32 = arith.constant 0 : i32
    %c0_i32_0 = arith.constant 0 : i32
    %c0_i32_1 = arith.constant 0 : i32
    return %c0_i32, %c0_i32_0 : i32, i32
  }
  func.func @transform_2(%arg0: i32) -> (i32, i32) {
    %c0_i32 = arith.constant 0 : i32
    %c0_i32_0 = arith.constant 0 : i32
    return %arg0, %c0_i32 : i32, i32
  }
}

</mosaic_0001>

<sc_bundles>
// kernel: gather_offload_async_start.1
scs
__scs_entry_jumppad:
0x0: {  	(pc) =	sbr.rel $0x88, $3  }
0x1: {  	(tag) =	ssettag $0x0;
	lr =	simm.s32 $0x1  }
0x2: {  	[smem:$0x3F9A] =	sst lr;
	_ =	strace $0xD0000000  }
0x3: {  	_ = 	snop  }
0x4: {  	_ = 	snop  }
0x5: {  	_ = 	snop  }
0x6: {  	_ = 	snop  }
0x7: {  	_ = 	snop  }
__scs_overlays_trampoline_lowered:
0x8: {  	[smem:$0x3FA9] =	sst s0  }
0x9: {  	[smem:$0x3FAA] =	sst s1  }
0xa: {  	[smem:$0x3FAB] =	sst s2  }
0xb: {  	[smem:$0x3FAC] =	sst s3  }
0xc: {  	[smem:$0x3FAD] =	sst s4  }
0xd: {  	[smem:$0x3FAE] =	sst s5  }
0xe: {  	[smem:$0x3FAF] =	sst s6  }
0xf: {  	[smem:$0x3FB0] =	sst s7  }
0x10: {  	[smem:$0x3FB1] =	sst s8  }
0x11: {  	[smem:$0x3FB2] =	sst s9;
	s0 =	simm.s32 @!p0 $0x0  }
0x12: {  	s1 =	sld [smem:$0x3F98];
	s0 =	simm.s32 @p0 $0x1  }
0x13: {  	[smem:$0x3FB3] =	sst s0;
	s0 =	simm.s32 @!p1 $0x0  }
0x14: {  	s2 =	sld [smem:$0x3F97];
	s0 =	simm.s32 @p1 $0x1  }
0x15: {  	[smem:$0x3FB4] =	sst s0;
	s0 =	simm.s32 @!p2 $0x0  }
0x16: {  	s3 =	sld [smem:$0x3FDB];
	s0 =	simm.s32 @p2 $0x1  }
0x17: {  	s4 =	simm.s32 $0x1BF5;
	[smem:$0x3FB6] =	sst s0  }
0x18: {  	s0 =	sld [smem:$0x3F99];
	_ =	swait.ge [sflag:s4], $0x0  }
0x19: {  	s7 =	sld [smem:$0x3F9A]  }
0x1a: {  	s8 =	sadd.s32 $0xFFFFE003, lr  }
0x1b: {  	s9 =	sadd.s32 $0xFFFFFEF7, lr;
	s5 =	simm.s32 $0xFFFFFFFF;
	p2 =	slt.u32 s8, $0xFFFFF086  }
0x1c: {  	p1 =	slt.u32 s9, $0xF7A;
	s5 =	simm.s32 @!p2 $0x0  }
0x1d: {  	s5 =	simm.s32 @p1 $0x1;
	p0 =	seq.s32 s7, s2  }
0x1e: {  	s7 =	smul.u32 @!p0 $0xF7A, s2;
	p2 =	seq.s32 @!p0 s5, $0x0  }
0x1f: {  	s9 =	smul.u32 $0xF7A, s1;
	s8 =	simm.s32 @!p0 $0x1BF5;
	p2 =	por !p2, p0  }
0x20: {  	[sflag:s8] =	ssyncset.s32 @!p0 $0xFFFFF086;
	s6 =	sadd.s32 @!p0 s3, s7;
	s7 =	simm.s32 @!p0 $0x108  }
0x21: {  	s3 =	sadd.s32 s3, s9;
	s6 =	sadd.s32 @!p0 $0x88, s6;
	s7 =	simm.s32 @p2 $0x1082  }
0x22: {  	[simem:s7], [sflag:s8] =	dma.local @!p0 [hbm:s6], $0xF7A  }
0x23: {  	s9 =	sor.u32 $0xD0000000, s2;
	s6 =	simm.s32 $0x108;
	_ =	swait.ge @!p0 [sflag:s8], $0x0  }
0x24: {  	s3 =	sadd.s32 $0x88, s3;
	s6 =	simm.s32 @!p1 $0x1082;
	[sflag:s4] =	ssyncset.s32 $0xFFFFF086  }
0x25: {  	[simem:s6], [sflag:s4] =	dma.local [hbm:s3], $0xF7A  }
0x26: {  	[smem:$0x3F9A] =	sst s1;
	(tag) =	ssettag s2;
	_ =	strace s9  }
0x27: {  	s1 =	sld [smem:$0x3FAA]  }
0x28: {  	s2 =	sld [smem:$0x3FAB]  }
0x29: {  	s4 =	sld [smem:$0x3FAD]  }
0x2a: {  	p0 =	seq.s32 s5, $0x0;
	s5 =	sld [smem:$0x3FAE]  }
0x2b: {  	s6 =	sld [smem:$0x3FAF]  }
0x2c: {  	s7 =	sld [smem:$0x3FB0]  }
0x2d: {  	s3 =	simm.s32 $0x108;
	s8 =	sld [smem:$0x3FB1]  }
0x2e: {  	s3 =	simm.s32 @!p0 $0x1082;
	s9 =	sld [smem:$0x3FB2]  }
0x2f: {  	lr =	sadd.s32 s0, s3;
	s0 =	sld [smem:$0x3FA9]  }
0x30: {  	s3 =	sld [smem:$0x3FAC]  }
0x31: {  	[smem:$0x3FB5] =	sst s10  }
0x32: {  	s10 =	sld [smem:$0x3FB3];
	_ =	sdelay $0x3  }
0x33: {  	p0 =	seq.s32 s10, $0x1;
	s10 =	sld [smem:$0x3FB5];
	_ =	sdelay $0x3  }
0x34: {  	[smem:$0x3FB5] =	sst s10  }
0x35: {  	s10 =	sld [smem:$0x3FB4];
	_ =	sdelay $0x3  }
0x36: {  	p1 =	seq.s32 s10, $0x1;
	s10 =	sld [smem:$0x3FB5];
	_ =	sdelay $0x3  }
0x37: {  	[smem:$0x3FB5] =	sst s10  }
0x38: {  	s10 =	sld [smem:$0x3FB6]  }
0x39: {  	_ = 	snop;
	(pc) =	sbr.ind lr, $3  }
0x3a: {  	_ = 	snop  }
0x3b: {  	_ = 	snop  }
0x3c: {  	p2 =	seq.s32 s10, $0x1;
	s10 =	sld [smem:$0x3FB5]  }
0x3d: {  	_ =	shalt  }
0x3e: {  	_ =	shalt  }
0x3f: {  	_ =	shalt  }
0x40: {  	_ =	shalt  }
0x41: {  	_ =	shalt  }
0x42: {  	_ =	shalt  }
0x43: {  	_ =	shalt  }
0x44: {  	_ =	shalt  }
0x45: {  	_ =	shalt  }
0x46: {  	_ =	shalt  }
0x47: {  	_ =	shalt  }
0x48: {  	_ =	shalt  }
0x49: {  	_ =	shalt  }
0x4a: {  	_ =	shalt  }
0x4b: {  	_ =	shalt  }
0x4c: {  	_ =	shalt  }
0x4d: {  	_ =	shalt  }
0x4e: {  	_ =	shalt  }
0x4f: {  	_ =	shalt  }
0x50: {  	_ =	shalt  }
0x51: {  	_ =	shalt  }
0x52: {  	_ =	shalt  }
0x53: {  	_ =	shalt  }
0x54: {  	_ =	shalt  }
0x55: {  	_ =	shalt  }
0x56: {  	_ =	shalt  }
0x57: {  	_ =	shalt  }
0x58: {  	_ =	shalt  }
0x59: {  	_ =	shalt  }
0x5a: {  	_ =	shalt  }
0x5b: {  	_ =	shalt  }
0x5c: {  	_ =	shalt  }
0x5d: {  	_ =	shalt  }
0x5e: {  	_ =	shalt  }
0x5f: {  	_ =	shalt  }
0x60: {  	_ =	shalt  }
0x61: {  	_ =	shalt  }
0x62: {  	_ =	shalt  }
0x63: {  	_ =	shalt  }
0x64: {  	_ =	shalt  }
0x65: {  	_ =	shalt  }
0x66: {  	_ =	shalt  }
0x67: {  	_ =	shalt  }
0x68: {  	_ =	shalt  }
0x69: {  	_ =	shalt  }
0x6a: {  	_ =	shalt  }
0x6b: {  	_ =	shalt  }
0x6c: {  	_ =	shalt  }
0x6d: {  	_ =	shalt  }
0x6e: {  	_ =	shalt  }
0x6f: {  	_ =	shalt  }
0x70: {  	_ =	shalt  }
0x71: {  	_ =	shalt  }
0x72: {  	_ =	shalt  }
0x73: {  	_ =	shalt  }
0x74: {  	_ =	shalt  }
0x75: {  	_ =	shalt  }
0x76: {  	_ =	shalt  }
0x77: {  	_ =	shalt  }
0x78: {  	_ =	shalt  }
0x79: {  	_ =	shalt  }
0x7a: {  	_ =	shalt  }
0x7b: {  	_ =	shalt  }
0x7c: {  	_ =	shalt  }
0x7d: {  	_ =	shalt  }
0x7e: {  	_ =	shalt  }
0x7f: {  	_ =	shalt  }
0x80: {  	_ =	shalt  }
0x81: {  	_ =	shalt  }
0x82: {  	_ =	shalt  }
0x83: {  	_ =	shalt  }
0x84: {  	_ =	shalt  }
0x85: {  	_ =	shalt  }
0x86: {  	_ =	shalt  }
0x87: {  	_ =	shalt  }
.Lfunc_end0:
.L_simem_size_0:
called_computation.1_lowered:
.L_overlay_start_0:
0x88: {  	s2 =	sld [smem:$0x3FD9]  }
0x89: {  	s3 =	sld [smem:$0x3FFE];
	_ =	sdelay $0x1  }
0x8a: {  	s1 =	srdreg.scid  }
0x8b: {  	s0 =	sand.u32 $0x1, s1  }
0x8c: {  	s17 =	sshll.u32 s0, $0xA;
	s2 =	sadd.s32 s3, s2  }
0x8d: {  	s2 =	sadd.s32 s2, s17  }
0x8e: {  	[smem:$0x3FC1] =	sst s2  }
0x8f: {  	_ = 	snop  }
0x90: {  	s2 =	sld [smem:$0x3FD0];
	(tm) =	ssettm $0x1  }
0x91: {  	s18 =	sld [smem:$0x3FFB];
	_ =	sdelay $0x3  }
0x92: {  	_ =	strace s18  }
0x93: {  	s3 =	sld [smem:$0x3FFC];
	_ =	sdelay $0x3  }
0x94: {  	_ =	strace s3  }
0x95: {  	s3 =	sld [smem:$0x3FFD];
	_ =	sdelay $0x3  }
0x96: {  	_ =	strace s3  }
0x97: {  	_ =	strace $0x8FFFFFFF  }
0x98: {  	s19 =	sld [smem:$0x3FDB];
	_ =	sdelay $0x1  }
0x99: {  	s4 =	simm.s32 $_scs_section_size  }
0x9a: {  	s5 =	simm.s32 $_size__tile_overlayer_lowered;
	s6 =	simm.s32 $_tile_overlayer_lowered  }
0x9b: {  	s22 =	simm.s32 $0x1BFF;
	s21 =	sshll.u32 s6, $0x1;
	s3 =	sadd.s32 s4, s19  }
0x9c: {  	s7 =	simm.s32 $0x0;
	s20 =	sshll.u32 s5, $0x1;
	s5 =	sadd.s32 s21, s3  }
0x9d: {  	[timem:s7], [sflag:s22] =	dma.local [hbm:s5], s20  }
0x9e: {  	_ =	swait.ge [sflag:s22], s20  }
0x9f: {  	s4 =	ssub.s32 $0x0, s20;
	[sflag:s22] =	ssyncset.done $0x0  }
0xa0: {  	[sflag:s22] =	ssyncadd.s32 s4;
	_ =	sdelay $0x1  }
0xa1: {  	s23 =	simm.s32 $0x1B8B  }
0xa2: {  	_ =	swait.ge [sflag:s23], $0x1  }
0xa3: {  	[sflag:s23] =	ssyncset.done $0x0  }
0xa4: {  	s25 =	simm.s32 $0x1B8E;
	s24 =	sld [smem:$0x3FFE];
	[sflag:s23] =	ssyncadd.s32 $0xFFFFFFFF  }
0xa5: {  	s26 =	simm.s32 $execute0_lowered;
	[smem:$0x3FD2] =	sst s25  }
0xa6: {  	s5 =	sshll.u32 s26, $0x1;
	_ =	strace $0x80000046;
	[dreg:$0x1] =	wrdreg $0xFFFFFFFF  }
0xa7: {  	s28 =	simm.s32 $_size_execute0_lowered;
	s3 =	sadd.s32 s3, s5;
	[dreg:$0x0] =	wrdreg $0x0  }
0xa8: {  	s5 =	sshll.u32 s28, $0x1;
	[dreg:$0x2] =	wrdreg s3  }
0xa9: {  	[dreg:$0x3] =	wrdreg s5  }
0xaa: {  	[dreg:$0x4] =	wrdreg $0xC0  }
0xab: {  	_ =	task [dreg:s7], $0x5FFFF  }
0xac: {  	[dreg:$0x1] =	wrdreg $0xFFFFFFFF  }
0xad: {  	[dreg:$0x0] =	wrdreg $0x60  }
0xae: {  	[dreg:$0x2] =	wrdreg s2  }
0xaf: {  	[dreg:$0x3] =	wrdreg s24  }
0xb0: {  	[dreg:$0x4] =	wrdreg $0xA  }
0xb1: {  	_ =	task.clear_ibuf [dreg:s7], $0x5FFFF;
	_ =	strace $0x90000046  }
0xb2: {  	s29 =	simm.s32 $0xA;
	_ =	strace $0x80000048  }
0xb3: {  	_ =	swait.ge [sflag:s29], $0x1  }
0xb4: {  	[sflag:s29] =	ssyncadd.s32 $0xFFFFFFFF  }
0xb5: {  	_ =	strace $0x90000048  }
0xb6: {  	_ =	sfence  }
0xb7: {  	s30 =	sld [smem:$0x0];
	_ =	sdelay $0x2  }
0xb8: {  	s31 =	sshll.u32 s1, $0xD;
	s1 =	sshrl.u32 s1, $0x2  }
0xb9: {  	s3 =	sand.u32 $0x4000, s31;
	s1 =	sadd.s32 s1, s30  }
0xba: {  	s0 =	sor.u32 s3, s0;
	s1 =	sshll.u32 s1, $0x11  }
0xbb: {  	s0 =	sor.u32 s1, s0  }
0xbc: {  	s0 =	sadd.s32 $0x8F2B, s0  }
0xbd: {  	[sflag:s0] =	ssyncadd.remote.s32 $0x1  }
0xbe: {  	_ =	sfence.sel $0xFFFF  }
0xbf: {  	[dreg:$0x0] =	wrdreg $0xFFFFFFFF;
	(pc) =	sbr.abs _section_cstart, $3  }
0xc0: {  	[dreg:$0x1] =	wrdreg $0xFFFFFFFF  }
0xc1: {  	_ =	task.clear_ibuf [dreg:s7], $0x2FFFF;
	_ =	strace $0x9FFFFFFF  }
0xc2: {  	(tm) =	ssettm $0x7FFFFFFF  }
0xc3: {  	_ =	shalt  }
tec
execute0_lowered:
.L_overlay_start_1:
0x0: {  	(tag) =	ssettag $0x1  }
0x1: {  	s2 =	rddreg [dreg:$0x0]  }
0x2: {  	s7 =	rddreg [dreg:$0x1]  }
0x3: {  	s0 =	rddreg [dreg:$0x2]  }
0x4: {  	s1 =	srdreg.scid;
	_ =	strace $0x80000047;
	s4 =	simm.s32 $0x1  }
0x5: {  	s9 =	simm.s32 $0x3;
	s12 =	simm.s32 $0x0;
	s5 =	sshll.u32 s1, $0x4  }
.Ltmp0:
0x6: {  	s1 =	stileid.u32;
	s5 =	sand.u32 $0x10, s5;
	(pc) =	sbr.rel .LBB2_1-.Ltmp0, $4  }
0x7: {  	s10 =	simm.s32 $0x0;
	s3 =	sadd.s32 $0x1800, s7;
	s6 =	sor.u32 s1, s5  }
0x8: {  	[sflag:s4] =	ssyncpa.u1 $0x0;
	s5 =	simm.s32 $0x2;
	s6 =	sshll.u32 s6, $0x7  }
0x9: {  	s7 =	sadd.s32 $0x1A00, s7;
	[sflag:s5] =	ssyncpa.u1 $0x0;
	s8 =	sadd.s32 $0x80, s6  }
0xa: {  	vm0 =	vmmov $0xff;
	vm1 =	vcmask $0x3F20;
	[sflag:s9] =	ssyncpa.u1 $0x0;
	s9 =	simm.s32 $0x80;
	s11 =	smov.u32 s6  }
.LBB2_9:
0xb: {  	p0 =	seq.s32 s10, $0x2  }
.Ltmp1:
0xc: {  	_ = 	snop;
	(pc) =	sbr.rel @p0 .LBB2_11-.Ltmp1, $1  }
0xd: {  	_ =	sdelay $0x3  }
.LBB2_10:
0xe: {  	s12 =	sadd.s32 $0x80, s11  }
0xf: {  	s13 =	smov.u32 s6;
	p0 =	slt.s32 s12, s8  }
0x10: {  	s13 =	smov.u32 @p0 s12  }
0x11: {  	s10 =	sadd.s32 $0x1, s10;
	s12 =	smov.u32 s11;
	s11 =	smov.u32 s13  }
.LBB2_1:
0x12: {  	p0 =	sne.s32 s10, $0x0  }
.Ltmp2:
0x13: {  	_ = 	snop;
	(pc) =	sbr.rel @!p0 .LBB2_2-.Ltmp2, $1  }
0x14: {  	_ =	sdelay $0x3  }
0x15: {  	s13 =	sand.u32 $0x1, s10  }
0x16: {  	p0 =	seq.s32 s13, $0x0  }
.Ltmp3:
0x17: {  	_ = 	snop;
	(pc) =	sbr.rel @p0 .LBB2_9-.Ltmp3, $1  }
0x18: {  	_ =	sdelay $0x3  }
0x19: {  	_ =	swait.ge [sflag:s5], $0x80  }
0x1a: {  	[sflag:s5] =	ssyncset.done $0x0  }
0x1b: {  	s13 =	simm.s32 $0x0;
	[sflag:s5] =	ssyncadd.s32 $0xFFFFFF80  }
0x1c: {  	v0 =	vld.msk [tilespmem:s13+$0x80 ss:$0x1], $0xffff;
	_ =	sdelay $0x4  }
0x1d: {  	vm2 =	vgt.s32 v0, $0x0  }
0x1e: {  	v0 =	vnsel vm2, $0x0, v0  }
0x1f: {  	v0 =	vmin.u32 v0, $0xFFF  }
0x20: {  	v0 =	vshll.u32 v0, $0x4;
	_ =	sdelay $0x3  }
0x21: {  	s13 =	simm.s32 $0x4100  }
0x22: {  	[tilespmem:s13], [sflag:$0x1] =	stream.indirect_vreg.gather [hbm:s2], $0x80, v0, vm0, $0x38;
	[tilespmem:$0x8100] =	vst v63  }
0x23: {  	s14 =	simm.s32 $0x4500;
	s31 =	simm.s32 $0x10  }
0x24: {  	[tilespmem:s14], [sflag:$0x1] =	stream.indirect_vreg.gather [hbm:s2], $0x80, v0, vm1, $0x38;
	[tilespmem:$0x8100] =	vst v63  }
0x25: {  	s14 =	simm.s32 $0x80;
	v0 =	vld.msk [tilespmem:s31+$0x80 ss:$0x1], $0xffff  }
.LBB2_5:
0x26: {  	p0 =	sne.s32 s14, $0x1C0;
	_ =	sdelay $0x4  }
0x27: {  	vm2 =	vgt.s32 v0, $0x0  }
0x28: {  	v0 =	vnsel vm2, $0x0, v0  }
0x29: {  	v0 =	vmin.u32 v0, $0xFFF  }
0x2a: {  	v0 =	vshll.u32 v0, $0x4;
	_ =	sdelay $0x3  }
.Ltmp4:
0x2b: {  	s13 =	sadd.s32 $0x800, s13;
	(pc) =	sbr.rel @p0 .LBB2_5-.Ltmp4, $4  }
0x2c: {  	[tilespmem:s13], [sflag:$0x1] =	stream.indirect_vreg.gather [hbm:s2], $0x80, v0, vm0, $0x38;
	[tilespmem:$0x8100] =	vst v63  }
0x2d: {  	s15 =	sshra.s32 s14, $0x2;
	s16 =	sadd.s32 $0x400, s13  }
0x2e: {  	[tilespmem:s16], [sflag:$0x1] =	stream.indirect_vreg.gather [hbm:s2], $0x80, v0, vm1, $0x38;
	[tilespmem:$0x8100] =	vst v63  }
0x2f: {  	s14 =	sadd.s32 $0x40, s14;
	v0 =	vld.msk [tilespmem:s15+$0x80 ss:$0x1], $0xffff  }
0x30: {  	_ =	sdelay $0x3  }
0x31: {  	vm2 =	vgt.s32 v0, $0x0  }
0x32: {  	v0 =	vnsel vm2, $0x0, v0  }
0x33: {  	v0 =	vmin.u32 v0, $0xFFF  }
0x34: {  	v0 =	vshll.u32 v0, $0x4;
	_ =	sdelay $0x3  }
0x35: {  	s13 =	sadd.s32 $0x800, s13  }
0x36: {  	[tilespmem:s13], [sflag:$0x1] =	stream.indirect_vreg.gather [hbm:s2], $0x80, v0, vm0, $0x38;
	[tilespmem:$0x8100] =	vst v63  }
0x37: {  	s13 =	sadd.s32 $0x400, s13  }
0x38: {  	[tilespmem:s13], [sflag:$0x1] =	stream.indirect_vreg.gather [hbm:s2], $0x80, v0, vm1, $0x38;
	[tilespmem:$0x8100] =	vst v63  }
0x39: {  	s12 =	sshll.u32 s12, $0x4;
	s14 =	simm.s32 $0x80;
	_ =	swait.ge [sflag:s4], $0x4000  }
0x3a: {  	s15 =	simm.s32 $0x4500;
	s12 =	sadd.s32 s12, s7;
	[sflag:s4] =	ssyncset.done $0x0  }
0x3b: {  	s16 =	sadd.s32 $0x0, s12;
	s13 =	simm.s32 $0x4100;
	[sflag:s4] =	ssyncadd.s32 $0xFFFFC000  }
.LBB2_7:
0x3c: {  	[hbm:s16] =	stream.linear.scatter [tilespmem:s13], [sflag:$0x3], $0x400, $0x38;
	[tilespmem:$0x8100] =	vst v63  }
0x3d: {  	s16 =	smov.u32 s14;
	s13 =	smov.u32 s15;
	p0 =	sne.s32 s14, $0x780  }
.Ltmp5:
0x3e: {  	s14 =	sadd.s32 $0x80, s14;
	(pc) =	sbr.rel @p0 .LBB2_7-.Ltmp5, $2  }
0x3f: {  	_ =	sdelay $0x2  }
0x40: {  	s15 =	sadd.s32 $0x400, s15;
	s16 =	sadd.s32 s16, s12  }
.Ltmp6:
0x41: {  	(pc) =	sbr.rel .LBB2_9-.Ltmp6, $2  }
0x42: {  	_ =	sdelay $0x2  }
0x43: {  	[hbm:s16] =	stream.linear.scatter [tilespmem:s13], [sflag:$0x3], $0x400, $0x38;
	[tilespmem:$0x8100] =	vst v63  }
.LBB2_2:
.Ltmp7:
0x44: {  	(pc) =	sbr.rel .LBB2_10-.Ltmp7, $4  }
0x45: {  	_ = 	snop  }
0x46: {  	s12 =	sshrl.u32 s11, $0x3  }
0x47: {  	s13 =	sand.u32 $0x7, s11;
	s12 =	sadd.s32 s3, s12  }
0x48: {  	[tilespmem:s9], [sflag:$0x2] =	stream.linear.gather [hbm4b:s12+s13], $0x80, $0x38;
	[tilespmem:$0x8100] =	vst v63  }
.LBB2_11:
0x49: {  	s2 =	simm.s32 $0x3  }
0x4a: {  	_ =	swait.ge [sflag:s2], $0x4000  }
0x4b: {  	[sflag:s2] =	ssyncset.done $0x0  }
0x4c: {  	[sflag:s2] =	ssyncadd.s32 $0xFFFFC000  }
0x4d: {  	_ =	sfence.sel $0x180000  }
0x4e: {  	s3 =	simm.s32 $0x2;
	[bflag:$0x0] =	sbarrier.arrive $0xFFFF  }
0x4f: {  	[sflag:s3] =	ssyncpa.u1 $0x1  }
0x50: {  	s31 =	simm.s32 $0x1;
	[sflag:s2] =	ssyncpa.u1 $0x1  }
0x51: {  	[sflag:s31] =	ssyncpa.u1 $0x1  }
0x52: {  	p0 =	sne.s32 s1, $0x0;
	_ =	strace $0x90000047  }
0x53: {  	s0 =	sadd.s32 @!p0 $0x100000, s0;
	[bflag:$0x2] =	sbarrier.arrive $0xFFFF  }
0x54: {  	[sflag:s0] =	ssyncadd.tile.s32 @!p0 $0x1;
	_ =	shalt  }
.Lfunc_end2:
_tile_overlayer_lowered:
.L_overlay_start_2:
0x55: {  	(tag) =	ssettag $0x2  }
0x56: {  	s0 =	rddreg [dreg:$0x0];
	s2 =	stileid.u32  }
0x57: {  	s1 =	rddreg [dreg:$0x1];
	p0 =	sne.s32 s2, $0x0  }
0x58: {  	s3 =	rddreg [dreg:$0x2];
	[bflag:$0x3] =	sbarrier.arrive $0xFFFF;
	s2 =	simm.s32 @!p0 $0x1C01  }
0x59: {  	[timem:s3], [sflag:s2] =	dma.local @!p0 [hbm:s0], s1  }
0x5a: {  	s0 =	simm.s32 @!p0 $0x1  }
0x5b: {  	_ =	swait.ge @!p0 [sflag:s0], s1  }
0x5c: {  	s1 =	ssub.s32 @!p0 $0x0, s1;
	[sflag:s0] =	ssyncset.done @!p0 $0x0  }
0x5d: {  	[sflag:s0] =	ssyncadd.s32 @!p0 s1  }
0x5e: {  	[bflag:$0x3] =	sbarrier.arrive $0xFFFF  }
0x5f: {  	_ =	shalt  }

// kernel: gather_offload_async_start
scs
__scs_entry_jumppad:
0x0: {  	(pc) =	sbr.rel $0x88, $3  }
0x1: {  	(tag) =	ssettag $0x0;
	lr =	simm.s32 $0x1  }
0x2: {  	[smem:$0x3F9A] =	sst lr;
	_ =	strace $0xD0000000  }
0x3: {  	_ = 	snop  }
0x4: {  	_ = 	snop  }
0x5: {  	_ = 	snop  }
0x6: {  	_ = 	snop  }
0x7: {  	_ = 	snop  }
__scs_overlays_trampoline_lowered:
0x8: {  	[smem:$0x3FA9] =	sst s0  }
0x9: {  	[smem:$0x3FAA] =	sst s1  }
0xa: {  	[smem:$0x3FAB] =	sst s2  }
0xb: {  	[smem:$0x3FAC] =	sst s3  }
0xc: {  	[smem:$0x3FAD] =	sst s4  }
0xd: {  	[smem:$0x3FAE] =	sst s5  }
0xe: {  	[smem:$0x3FAF] =	sst s6  }
0xf: {  	[smem:$0x3FB0] =	sst s7  }
0x10: {  	[smem:$0x3FB1] =	sst s8  }
0x11: {  	[smem:$0x3FB2] =	sst s9;
	s0 =	simm.s32 @!p0 $0x0  }
0x12: {  	s1 =	sld [smem:$0x3F98];
	s0 =	simm.s32 @p0 $0x1  }
0x13: {  	[smem:$0x3FB3] =	sst s0;
	s0 =	simm.s32 @!p1 $0x0  }
0x14: {  	s2 =	sld [smem:$0x3F97];
	s0 =	simm.s32 @p1 $0x1  }
0x15: {  	[smem:$0x3FB4] =	sst s0;
	s0 =	simm.s32 @!p2 $0x0  }
0x16: {  	s3 =	sld [smem:$0x3FDB];
	s0 =	simm.s32 @p2 $0x1  }
0x17: {  	s4 =	simm.s32 $0x1BF5;
	[smem:$0x3FB6] =	sst s0  }
0x18: {  	s0 =	sld [smem:$0x3F99];
	_ =	swait.ge [sflag:s4], $0x0  }
0x19: {  	s7 =	sld [smem:$0x3F9A]  }
0x1a: {  	s8 =	sadd.s32 $0xFFFFE003, lr  }
0x1b: {  	s9 =	sadd.s32 $0xFFFFFEF7, lr;
	s5 =	simm.s32 $0xFFFFFFFF;
	p2 =	slt.u32 s8, $0xFFFFF086  }
0x1c: {  	p1 =	slt.u32 s9, $0xF7A;
	s5 =	simm.s32 @!p2 $0x0  }
0x1d: {  	s5 =	simm.s32 @p1 $0x1;
	p0 =	seq.s32 s7, s2  }
0x1e: {  	s7 =	smul.u32 @!p0 $0xF7A, s2;
	p2 =	seq.s32 @!p0 s5, $0x0  }
0x1f: {  	s9 =	smul.u32 $0xF7A, s1;
	s8 =	simm.s32 @!p0 $0x1BF5;
	p2 =	por !p2, p0  }
0x20: {  	[sflag:s8] =	ssyncset.s32 @!p0 $0xFFFFF086;
	s6 =	sadd.s32 @!p0 s3, s7;
	s7 =	simm.s32 @!p0 $0x108  }
0x21: {  	s3 =	sadd.s32 s3, s9;
	s6 =	sadd.s32 @!p0 $0x88, s6;
	s7 =	simm.s32 @p2 $0x1082  }
0x22: {  	[simem:s7], [sflag:s8] =	dma.local @!p0 [hbm:s6], $0xF7A  }
0x23: {  	s9 =	sor.u32 $0xD0000000, s2;
	s6 =	simm.s32 $0x108;
	_ =	swait.ge @!p0 [sflag:s8], $0x0  }
0x24: {  	s3 =	sadd.s32 $0x88, s3;
	s6 =	simm.s32 @!p1 $0x1082;
	[sflag:s4] =	ssyncset.s32 $0xFFFFF086  }
0x25: {  	[simem:s6], [sflag:s4] =	dma.local [hbm:s3], $0xF7A  }
0x26: {  	[smem:$0x3F9A] =	sst s1;
	(tag) =	ssettag s2;
	_ =	strace s9  }
0x27: {  	s1 =	sld [smem:$0x3FAA]  }
0x28: {  	s2 =	sld [smem:$0x3FAB]  }
0x29: {  	s4 =	sld [smem:$0x3FAD]  }
0x2a: {  	p0 =	seq.s32 s5, $0x0;
	s5 =	sld [smem:$0x3FAE]  }
0x2b: {  	s6 =	sld [smem:$0x3FAF]  }
0x2c: {  	s7 =	sld [smem:$0x3FB0]  }
0x2d: {  	s3 =	simm.s32 $0x108;
	s8 =	sld [smem:$0x3FB1]  }
0x2e: {  	s3 =	simm.s32 @!p0 $0x1082;
	s9 =	sld [smem:$0x3FB2]  }
0x2f: {  	lr =	sadd.s32 s0, s3;
	s0 =	sld [smem:$0x3FA9]  }
0x30: {  	s3 =	sld [smem:$0x3FAC]  }
0x31: {  	[smem:$0x3FB5] =	sst s10  }
0x32: {  	s10 =	sld [smem:$0x3FB3];
	_ =	sdelay $0x3  }
0x33: {  	p0 =	seq.s32 s10, $0x1;
	s10 =	sld [smem:$0x3FB5];
	_ =	sdelay $0x3  }
0x34: {  	[smem:$0x3FB5] =	sst s10  }
0x35: {  	s10 =	sld [smem:$0x3FB4];
	_ =	sdelay $0x3  }
0x36: {  	p1 =	seq.s32 s10, $0x1;
	s10 =	sld [smem:$0x3FB5];
	_ =	sdelay $0x3  }
0x37: {  	[smem:$0x3FB5] =	sst s10  }
0x38: {  	s10 =	sld [smem:$0x3FB6]  }
0x39: {  	_ = 	snop;
	(pc) =	sbr.ind lr, $3  }
0x3a: {  	_ = 	snop  }
0x3b: {  	_ = 	snop  }
0x3c: {  	p2 =	seq.s32 s10, $0x1;
	s10 =	sld [smem:$0x3FB5]  }
0x3d: {  	_ =	shalt  }
0x3e: {  	_ =	shalt  }
0x3f: {  	_ =	shalt  }
0x40: {  	_ =	shalt  }
0x41: {  	_ =	shalt  }
0x42: {  	_ =	shalt  }
0x43: {  	_ =	shalt  }
0x44: {  	_ =	shalt  }
0x45: {  	_ =	shalt  }
0x46: {  	_ =	shalt  }
0x47: {  	_ =	shalt  }
0x48: {  	_ =	shalt  }
0x49: {  	_ =	shalt  }
0x4a: {  	_ =	shalt  }
0x4b: {  	_ =	shalt  }
0x4c: {  	_ =	shalt  }
0x4d: {  	_ =	shalt  }
0x4e: {  	_ =	shalt  }
0x4f: {  	_ =	shalt  }
0x50: {  	_ =	shalt  }
0x51: {  	_ =	shalt  }
0x52: {  	_ =	shalt  }
0x53: {  	_ =	shalt  }
0x54: {  	_ =	shalt  }
0x55: {  	_ =	shalt  }
0x56: {  	_ =	shalt  }
0x57: {  	_ =	shalt  }
0x58: {  	_ =	shalt  }
0x59: {  	_ =	shalt  }
0x5a: {  	_ =	shalt  }
0x5b: {  	_ =	shalt  }
0x5c: {  	_ =	shalt  }
0x5d: {  	_ =	shalt  }
0x5e: {  	_ =	shalt  }
0x5f: {  	_ =	shalt  }
0x60: {  	_ =	shalt  }
0x61: {  	_ =	shalt  }
0x62: {  	_ =	shalt  }
0x63: {  	_ =	shalt  }
0x64: {  	_ =	shalt  }
0x65: {  	_ =	shalt  }
0x66: {  	_ =	shalt  }
0x67: {  	_ =	shalt  }
0x68: {  	_ =	shalt  }
0x69: {  	_ =	shalt  }
0x6a: {  	_ =	shalt  }
0x6b: {  	_ =	shalt  }
0x6c: {  	_ =	shalt  }
0x6d: {  	_ =	shalt  }
0x6e: {  	_ =	shalt  }
0x6f: {  	_ =	shalt  }
0x70: {  	_ =	shalt  }
0x71: {  	_ =	shalt  }
0x72: {  	_ =	shalt  }
0x73: {  	_ =	shalt  }
0x74: {  	_ =	shalt  }
0x75: {  	_ =	shalt  }
0x76: {  	_ =	shalt  }
0x77: {  	_ =	shalt  }
0x78: {  	_ =	shalt  }
0x79: {  	_ =	shalt  }
0x7a: {  	_ =	shalt  }
0x7b: {  	_ =	shalt  }
0x7c: {  	_ =	shalt  }
0x7d: {  	_ =	shalt  }
0x7e: {  	_ =	shalt  }
0x7f: {  	_ =	shalt  }
0x80: {  	_ =	shalt  }
0x81: {  	_ =	shalt  }
0x82: {  	_ =	shalt  }
0x83: {  	_ =	shalt  }
0x84: {  	_ =	shalt  }
0x85: {  	_ =	shalt  }
0x86: {  	_ =	shalt  }
0x87: {  	_ =	shalt  }
.Lfunc_end0:
.L_simem_size_0:
called_computation_lowered:
.L_overlay_start_0:
0x88: {  	s2 =	sld [smem:$0x3FD9]  }
0x89: {  	s3 =	sld [smem:$0x3FFE];
	_ =	sdelay $0x1  }
0x8a: {  	s1 =	srdreg.scid  }
0x8b: {  	s0 =	sand.u32 $0x1, s1  }
0x8c: {  	s17 =	sshll.u32 s0, $0xA;
	s2 =	sadd.s32 s3, s2  }
0x8d: {  	s2 =	sadd.s32 s2, s17  }
0x8e: {  	[smem:$0x3FC1] =	sst s2  }
0x8f: {  	_ = 	snop  }
0x90: {  	(tm) =	ssettm $0x1  }
0x91: {  	s18 =	sld [smem:$0x3FFB];
	_ =	sdelay $0x3  }
0x92: {  	_ =	strace s18  }
0x93: {  	s2 =	sld [smem:$0x3FFC];
	_ =	sdelay $0x3  }
0x94: {  	_ =	strace s2  }
0x95: {  	s2 =	sld [smem:$0x3FFD];
	_ =	sdelay $0x3  }
0x96: {  	_ =	strace s2  }
0x97: {  	_ =	strace $0x8FFFFFFF  }
0x98: {  	s19 =	sld [smem:$0x3FDB];
	_ =	sdelay $0x1  }
0x99: {  	s20 =	simm.s32 $_scs_section_size  }
0x9a: {  	s4 =	simm.s32 $_size__tile_overlayer_lowered;
	s5 =	simm.s32 $_tile_overlayer_lowered  }
0x9b: {  	s6 =	simm.s32 $0x1BFF;
	s21 =	sshll.u32 s5, $0x1;
	s3 =	sadd.s32 s20, s19  }
0x9c: {  	s22 =	simm.s32 $0x0;
	s4 =	sshll.u32 s4, $0x1;
	s5 =	sadd.s32 s21, s3  }
0x9d: {  	[timem:s22], [sflag:s6] =	dma.local [hbm:s5], s4  }
0x9e: {  	_ =	swait.ge [sflag:s6], s4  }
0x9f: {  	s4 =	ssub.s32 $0x0, s4;
	[sflag:s6] =	ssyncset.done $0x0  }
0xa0: {  	[sflag:s6] =	ssyncadd.s32 s4;
	_ =	sdelay $0x1  }
0xa1: {  	s23 =	simm.s32 $0x1B8B  }
0xa2: {  	_ =	swait.ge [sflag:s23], $0x1  }
0xa3: {  	[sflag:s23] =	ssyncset.done $0x0  }
0xa4: {  	[sflag:s23] =	ssyncadd.s32 $0xFFFFFFFF  }
0xa5: {  	s4 =	sld [smem:$0x0]  }
0xa6: {  	s5 =	sand.u32 $0xFFFFFFFE, s1  }
0xa7: {  	p0 =	sne.s32 s1, s5  }
0xa8: {  	s5 =	sshll.u32 @p0 s5, $0xE  }
0xa9: {  	s5 =	sadd.s32 @p0 $0x11B8D, s5;
	s6 =	sshll.u32 @p0 s4, $0x11  }
0xaa: {  	s5 =	sor.u32 @p0 s6, s5  }
0xab: {  	[sflag:s5] =	ssyncadd.remote.s32 @p0 $0x1;
	_ =	sdelay $0x1  }
0xac: {  	s5 =	simm.s32 @p0 $0x1B8D  }
0xad: {  	_ =	swait.eq @p0 [sflag:s5], $0x1  }
0xae: {  	[sflag:s5] =	ssyncadd.s32 @p0 $0xFFFFFFFF  }
0xaf: {  	s6 =	sshll.u32 @!p0 s1, $0xE  }
0xb0: {  	s6 =	sor.u32 @!p0 $0x4000, s6;
	s5 =	simm.s32 @!p0 $0x1B8D  }
0xb1: {  	s4 =	sshll.u32 @!p0 s4, $0x11;
	s6 =	sadd.s32 @!p0 $0x11B8D, s6;
	_ =	swait.eq @!p0 [sflag:s5], $0x1  }
0xb2: {  	s4 =	sor.u32 @!p0 s4, s6;
	[sflag:s5] =	ssyncadd.s32 @!p0 $0xFFFFFFFF  }
0xb3: {  	s25 =	simm.s32 $0x1B8E;
	s24 =	sld [smem:$0x3FFE];
	[sflag:s4] =	ssyncadd.remote.s32 @!p0 $0x1  }
0xb4: {  	s26 =	simm.s32 $execute0_lowered;
	[smem:$0x3FD2] =	sst s25  }
0xb5: {  	s5 =	sshll.u32 s26, $0x1;
	_ =	strace $0x80000049;
	[dreg:$0x1] =	wrdreg $0xFFFFFFFF  }
0xb6: {  	s28 =	simm.s32 $_size_execute0_lowered;
	s3 =	sadd.s32 s3, s5;
	[dreg:$0x0] =	wrdreg $0x0  }
0xb7: {  	s5 =	sshll.u32 s28, $0x1;
	[dreg:$0x2] =	wrdreg s3  }
0xb8: {  	[dreg:$0x3] =	wrdreg s5  }
0xb9: {  	[dreg:$0x4] =	wrdreg $0xC0  }
0xba: {  	_ =	task [dreg:s22], $0x5FFFF  }
0xbb: {  	[dreg:$0x1] =	wrdreg $0xFFFFFFFF  }
0xbc: {  	[dreg:$0x0] =	wrdreg $0x60  }
0xbd: {  	[dreg:$0x2] =	wrdreg s24  }
0xbe: {  	[dreg:$0x3] =	wrdreg $0x9  }
0xbf: {  	_ =	task.clear_ibuf [dreg:s22], $0x4FFFF;
	_ =	strace $0x90000049  }
0xc0: {  	s29 =	simm.s32 $0x9;
	_ =	strace $0x8000004B  }
0xc1: {  	_ =	swait.ge [sflag:s29], $0x1  }
0xc2: {  	[sflag:s29] =	ssyncadd.s32 $0xFFFFFFFF  }
0xc3: {  	_ =	strace $0x9000004B  }
0xc4: {  	_ =	sfence  }
0xc5: {  	s30 =	sld [smem:$0x0];
	_ =	sdelay $0x2  }
0xc6: {  	s31 =	sshll.u32 s1, $0xD;
	s1 =	sshrl.u32 s1, $0x2  }
0xc7: {  	s4 =	sand.u32 $0x4000, s31;
	s1 =	sadd.s32 s1, s30  }
0xc8: {  	s0 =	sor.u32 s4, s0;
	s1 =	sshll.u32 s1, $0x11  }
0xc9: {  	s0 =	sor.u32 s1, s0  }
0xca: {  	s0 =	sadd.s32 $0x8F2B, s0  }
0xcb: {  	[sflag:s0] =	ssyncadd.remote.s32 $0x1  }
0xcc: {  	_ =	sfence.sel $0xFFFF  }
0xcd: {  	[dreg:$0x0] =	wrdreg $0xFFFFFFFF;
	(pc) =	sbr.abs _section_cstart, $3  }
0xce: {  	[dreg:$0x1] =	wrdreg $0xFFFFFFFF  }
0xcf: {  	_ =	task.clear_ibuf [dreg:s22], $0x2FFFF;
	_ =	strace $0x9FFFFFFF  }
0xd0: {  	(tm) =	ssettm $0x7FFFFFFF  }
0xd1: {  	_ =	shalt  }
tec
execute0_lowered:
.L_overlay_start_1:
0x0: {  	(tag) =	ssettag $0x1  }
0x1: {  	s7 =	rddreg [dreg:$0x0]  }
0x2: {  	s0 =	rddreg [dreg:$0x1];
	_ =	strace $0x8000004A  }
0x3: {  	s1 =	srdreg.scid;
	s4 =	simm.s32 $0x1;
	s9 =	simm.s32 $0x3  }
0x4: {  	s12 =	simm.s32 $0x0;
	s10 =	simm.s32 $0x0;
	s5 =	sshll.u32 s1, $0x4  }
.Ltmp0:
0x5: {  	s1 =	stileid.u32;
	s5 =	sand.u32 $0x10, s5;
	(pc) =	sbr.rel .LBB2_1-.Ltmp0, $4  }
0x6: {  	s2 =	sadd.s32 $0x11A00, s7;
	s3 =	sadd.s32 $0x1800, s7;
	s6 =	sor.u32 s1, s5  }
0x7: {  	[sflag:s4] =	ssyncpa.u1 $0x0;
	s5 =	simm.s32 $0x2;
	s6 =	sshll.u32 s6, $0x7  }
0x8: {  	s7 =	sadd.s32 $0x21A00, s7;
	[sflag:s5] =	ssyncpa.u1 $0x0;
	s8 =	sadd.s32 $0x80, s6  }
0x9: {  	vm0 =	vmmov $0xff;
	vm1 =	vcmask $0x3F20;
	[sflag:s9] =	ssyncpa.u1 $0x0;
	s9 =	simm.s32 $0x80;
	s11 =	smov.u32 s6  }
.LBB2_9:
0xa: {  	p0 =	seq.s32 s10, $0x2  }
.Ltmp1:
0xb: {  	_ = 	snop;
	(pc) =	sbr.rel @p0 .LBB2_11-.Ltmp1, $1  }
0xc: {  	_ =	sdelay $0x3  }
.LBB2_10:
0xd: {  	s12 =	sadd.s32 $0x80, s11  }
0xe: {  	s13 =	smov.u32 s6;
	p0 =	slt.s32 s12, s8  }
0xf: {  	s13 =	smov.u32 @p0 s12  }
0x10: {  	s10 =	sadd.s32 $0x1, s10;
	s12 =	smov.u32 s11;
	s11 =	smov.u32 s13  }
.LBB2_1:
0x11: {  	p0 =	sne.s32 s10, $0x0  }
.Ltmp2:
0x12: {  	_ = 	snop;
	(pc) =	sbr.rel @!p0 .LBB2_2-.Ltmp2, $1  }
0x13: {  	_ =	sdelay $0x3  }
0x14: {  	s13 =	sand.u32 $0x1, s10  }
0x15: {  	p0 =	seq.s32 s13, $0x0  }
.Ltmp3:
0x16: {  	_ = 	snop;
	(pc) =	sbr.rel @p0 .LBB2_9-.Ltmp3, $1  }
0x17: {  	_ =	sdelay $0x3  }
0x18: {  	_ =	swait.ge [sflag:s5], $0x80  }
0x19: {  	[sflag:s5] =	ssyncset.done $0x0  }
0x1a: {  	s13 =	simm.s32 $0x0;
	[sflag:s5] =	ssyncadd.s32 $0xFFFFFF80  }
0x1b: {  	v0 =	vld.msk [tilespmem:s13+$0x80 ss:$0x1], $0xffff;
	_ =	sdelay $0x4  }
0x1c: {  	vm2 =	vgt.s32 v0, $0x0  }
0x1d: {  	v0 =	vnsel vm2, $0x0, v0  }
0x1e: {  	v0 =	vmin.u32 v0, $0xFFF  }
0x1f: {  	v0 =	vshll.u32 v0, $0x4;
	_ =	sdelay $0x3  }
0x20: {  	s13 =	simm.s32 $0x4100  }
0x21: {  	[tilespmem:s13], [sflag:$0x1] =	stream.indirect_vreg.gather [hbm:s2], $0x80, v0, vm0, $0x38;
	[tilespmem:$0x8100] =	vst v63  }
0x22: {  	s14 =	simm.s32 $0x4500;
	s31 =	simm.s32 $0x10  }
0x23: {  	[tilespmem:s14], [sflag:$0x1] =	stream.indirect_vreg.gather [hbm:s2], $0x80, v0, vm1, $0x38;
	[tilespmem:$0x8100] =	vst v63  }
0x24: {  	s14 =	simm.s32 $0x80;
	v0 =	vld.msk [tilespmem:s31+$0x80 ss:$0x1], $0xffff  }
.LBB2_5:
0x25: {  	p0 =	sne.s32 s14, $0x1C0;
	_ =	sdelay $0x4  }
0x26: {  	vm2 =	vgt.s32 v0, $0x0  }
0x27: {  	v0 =	vnsel vm2, $0x0, v0  }
0x28: {  	v0 =	vmin.u32 v0, $0xFFF  }
0x29: {  	v0 =	vshll.u32 v0, $0x4;
	_ =	sdelay $0x3  }
.Ltmp4:
0x2a: {  	s13 =	sadd.s32 $0x800, s13;
	(pc) =	sbr.rel @p0 .LBB2_5-.Ltmp4, $4  }
0x2b: {  	[tilespmem:s13], [sflag:$0x1] =	stream.indirect_vreg.gather [hbm:s2], $0x80, v0, vm0, $0x38;
	[tilespmem:$0x8100] =	vst v63  }
0x2c: {  	s15 =	sshra.s32 s14, $0x2;
	s16 =	sadd.s32 $0x400, s13  }
0x2d: {  	[tilespmem:s16], [sflag:$0x1] =	stream.indirect_vreg.gather [hbm:s2], $0x80, v0, vm1, $0x38;
	[tilespmem:$0x8100] =	vst v63  }
0x2e: {  	s14 =	sadd.s32 $0x40, s14;
	v0 =	vld.msk [tilespmem:s15+$0x80 ss:$0x1], $0xffff  }
0x2f: {  	_ =	sdelay $0x3  }
0x30: {  	vm2 =	vgt.s32 v0, $0x0  }
0x31: {  	v0 =	vnsel vm2, $0x0, v0  }
0x32: {  	v0 =	vmin.u32 v0, $0xFFF  }
0x33: {  	v0 =	vshll.u32 v0, $0x4;
	_ =	sdelay $0x3  }
0x34: {  	s13 =	sadd.s32 $0x800, s13  }
0x35: {  	[tilespmem:s13], [sflag:$0x1] =	stream.indirect_vreg.gather [hbm:s2], $0x80, v0, vm0, $0x38;
	[tilespmem:$0x8100] =	vst v63  }
0x36: {  	s13 =	sadd.s32 $0x400, s13  }
0x37: {  	[tilespmem:s13], [sflag:$0x1] =	stream.indirect_vreg.gather [hbm:s2], $0x80, v0, vm1, $0x38;
	[tilespmem:$0x8100] =	vst v63  }
0x38: {  	s12 =	sshll.u32 s12, $0x4;
	s14 =	simm.s32 $0x80;
	_ =	swait.ge [sflag:s4], $0x4000  }
0x39: {  	s15 =	simm.s32 $0x4500;
	s12 =	sadd.s32 s12, s7;
	[sflag:s4] =	ssyncset.done $0x0  }
0x3a: {  	s16 =	sadd.s32 $0x0, s12;
	s13 =	simm.s32 $0x4100;
	[sflag:s4] =	ssyncadd.s32 $0xFFFFC000  }
.LBB2_7:
0x3b: {  	[hbm:s16] =	stream.linear.scatter [tilespmem:s13], [sflag:$0x3], $0x400, $0x38;
	[tilespmem:$0x8100] =	vst v63  }
0x3c: {  	s16 =	smov.u32 s14;
	s13 =	smov.u32 s15;
	p0 =	sne.s32 s14, $0x780  }
.Ltmp5:
0x3d: {  	s14 =	sadd.s32 $0x80, s14;
	(pc) =	sbr.rel @p0 .LBB2_7-.Ltmp5, $2  }
0x3e: {  	_ =	sdelay $0x2  }
0x3f: {  	s15 =	sadd.s32 $0x400, s15;
	s16 =	sadd.s32 s16, s12  }
.Ltmp6:
0x40: {  	(pc) =	sbr.rel .LBB2_9-.Ltmp6, $2  }
0x41: {  	_ =	sdelay $0x2  }
0x42: {  	[hbm:s16] =	stream.linear.scatter [tilespmem:s13], [sflag:$0x3], $0x400, $0x38;
	[tilespmem:$0x8100] =	vst v63  }
.LBB2_2:
.Ltmp7:
0x43: {  	(pc) =	sbr.rel .LBB2_10-.Ltmp7, $4  }
0x44: {  	_ = 	snop  }
0x45: {  	s12 =	sshrl.u32 s11, $0x3  }
0x46: {  	s13 =	sand.u32 $0x7, s11;
	s12 =	sadd.s32 s3, s12  }
0x47: {  	[tilespmem:s9], [sflag:$0x2] =	stream.linear.gather [hbm4b:s12+s13], $0x80, $0x38;
	[tilespmem:$0x8100] =	vst v63  }
.LBB2_11:
0x48: {  	s2 =	simm.s32 $0x3  }
0x49: {  	_ =	swait.ge [sflag:s2], $0x4000  }
0x4a: {  	[sflag:s2] =	ssyncset.done $0x0  }
0x4b: {  	[sflag:s2] =	ssyncadd.s32 $0xFFFFC000  }
0x4c: {  	_ =	sfence.sel $0x180000  }
0x4d: {  	s3 =	simm.s32 $0x2;
	[bflag:$0x0] =	sbarrier.arrive $0xFFFF  }
0x4e: {  	[sflag:s3] =	ssyncpa.u1 $0x1  }
0x4f: {  	s31 =	simm.s32 $0x1;
	[sflag:s2] =	ssyncpa.u1 $0x1  }
0x50: {  	[sflag:s31] =	ssyncpa.u1 $0x1  }
0x51: {  	p0 =	sne.s32 s1, $0x0;
	_ =	strace $0x9000004A  }
0x52: {  	s0 =	sadd.s32 @!p0 $0x100000, s0;
	[bflag:$0x2] =	sbarrier.arrive $0xFFFF  }
0x53: {  	[sflag:s0] =	ssyncadd.tile.s32 @!p0 $0x1;
	_ =	shalt  }
.Lfunc_end2:
_tile_overlayer_lowered:
.L_overlay_start_2:
0x54: {  	(tag) =	ssettag $0x2  }
0x55: {  	s0 =	rddreg [dreg:$0x0];
	s2 =	stileid.u32  }
0x56: {  	s1 =	rddreg [dreg:$0x1];
	p0 =	sne.s32 s2, $0x0  }
0x57: {  	s3 =	rddreg [dreg:$0x2];
	[bflag:$0x3] =	sbarrier.arrive $0xFFFF;
	s2 =	simm.s32 @!p0 $0x1C01  }
0x58: {  	[timem:s3], [sflag:s2] =	dma.local @!p0 [hbm:s0], s1  }
0x59: {  	s0 =	simm.s32 @!p0 $0x1  }
0x5a: {  	_ =	swait.ge @!p0 [sflag:s0], s1  }
0x5b: {  	s1 =	ssub.s32 @!p0 $0x0, s1;
	[sflag:s0] =	ssyncset.done @!p0 $0x0  }
0x5c: {  	[sflag:s0] =	ssyncadd.s32 @!p0 s1  }
0x5d: {  	[bflag:$0x3] =	sbarrier.arrive $0xFFFF  }
0x5e: {  	_ =	shalt  }

</sc_bundles>
